<compile_context>
chip_gen: v7x
topology: tpu7x:2x2x1
jax: 0.10.2.dev20260603
libtpu: 0.0.44.dev20260713+nightly
codegen_flags: <defaults>
</compile_context>

<pallas_src>
import jax
import jax.numpy as jnp
import numpy as np
from jax import lax
from jax.experimental import pallas as pl
from jax.experimental.pallas import tpu as pltpu
from jax.experimental.pallas import tpu_sc as plsc

_NC = 2
_NS = 16
_NW = _NC * _NS
_BATCH = 4096
_NF = 26
_NV = 2_600_000
_BPW = _BATCH // _NW
_WIDTH = 1152
_BUFW = 1280
_SMAX = _NV - _WIDTH - 64
_TAIL0 = _NV - 64


def _sel(ref_1d, pos, i16):
    ch = ref_1d[pl.ds((pos >> 4) << 4, 16)]
    return jnp.sum(jnp.where(i16 == (pos & 15), ch, 0))


def _body1(w3, xst, pst, wtail, packed, ridp, xv, pv, wt_v, rid_v, bvm,
           dlist, starts, bufs, outf, sem):
    c = lax.axis_index("c")
    s = lax.axis_index("s")
    wid = s * _NC + c
    base = wid * _BPW

    pltpu.sync_copy(xst.at[:, pl.ds(base, _BPW)], xv)
    pltpu.sync_copy(pst.at[:, pl.ds(base, _BPW)], pv)
    pltpu.sync_copy(wtail, wt_v)

    i16 = lax.iota(jnp.int32, 16)
    p_lo = lax.shift_right_logical(i16, 3)
    p_hi = p_lo + 2
    r_id = lax.bitwise_and(i16, 7)

    def floop(f, carry):
        off = f * 100000

        def ridloop(g, c2):
            rid_v[pl.ds(g * 16, 16)] = pv[f, pl.ds(g * 16, 16)] * _NF + f
            return c2

        lax.fori_loop(0, _BPW // 16, ridloop, 0, unroll=4)
        pltpu.sync_copy(rid_v, ridp.at[f, wid, :])

        v0 = xv[f, pl.ds(0, 16)][0] + off
        lo = lax.shift_left(lax.shift_right_logical(v0, 10), 10)

        bvm[pl.ds(0, 16)] = jnp.full((16,), -1, jnp.int32)

        def cidloop(g, c2):
            vv = xv[f, pl.ds(g * 16, 16)] + off
            bvm[pl.ds(1 + g * 16, 16)] = lax.shift_right_logical(vv - lo, 10)
            return c2

        lax.fori_loop(0, _BPW // 16, cidloop, 0, unroll=4)

        ptr = jnp.int32(0)
        for g in range(_BPW // 16):
            prev = bvm[pl.ds(g * 16, 16)]
            cur = bvm[pl.ds(g * 16 + 1, 16)]
            m = cur != prev
            plsc.store_compressed(dlist.at[pl.ds(ptr, 16)], cur, mask=m)
            plsc.store_compressed(
                starts.at[pl.ds(ptr, 16)], i16 + g * 16, mask=m
            )
            ptr = ptr + plsc.all_reduce_population_count(m)[0]
        ndist = ptr
        starts[pl.ds(ndist, 16)] = jnp.full((16,), _BPW, jnp.int32)

        s_0 = pl.multiple_of(
            jnp.minimum(lo + _sel(dlist, jnp.int32(0), i16) * 1024, _SMAX), 128
        )
        pltpu.async_copy(
            w3.at[:, :, pl.ds(s_0, _WIDTH)],
            bufs.at[0, :, :, pl.ds(0, _WIDTH)],
            sem,
        )

        def dloop(d, c2):
            pltpu.make_async_copy(
                w3.at[:, :, pl.ds(0, _WIDTH)],
                bufs.at[d % 2, :, :, pl.ds(0, _WIDTH)],
                sem,
            ).wait()

            @pl.when(d + 1 < ndist)
            def _():
                sn = pl.multiple_of(
                    jnp.minimum(lo + _sel(dlist, d + 1, i16) * 1024, _SMAX),
                    128,
                )
                pltpu.async_copy(
                    w3.at[:, :, pl.ds(sn, _WIDTH)],
                    bufs.at[(d + 1) % 2, :, :, pl.ds(0, _WIDTH)],
                    sem,
                )

            sd = pl.multiple_of(
                jnp.minimum(lo + _sel(dlist, d, i16) * 1024, _SMAX), 128
            )
            r0 = _sel(starts, d, i16)
            r1 = _sel(starts, d + 1, i16)

            def rloop(r, c3):
                ch = xv[f, pl.ds((r >> 4) << 4, 16)]
                v = jnp.sum(jnp.where(i16 == (r & 15), ch, 0)) + off
                colv = i16 * 0 + (v - sd)
                g0 = plsc.load_gather(bufs.at[d % 2], [p_lo, r_id, colv])
                g1 = plsc.load_gather(bufs.at[d % 2], [p_hi, r_id, colv])
                tl = jnp.minimum(jnp.maximum(v - _TAIL0, 0), 63)
                t0 = wt_v[tl, pl.ds(0, 16)]
                t1 = wt_v[tl, pl.ds(16, 16)]
                mt = i16 * 0 + jnp.where(v >= _TAIL0, 1, 0)
                g0 = jnp.where(mt == 1, t0, g0)
                g1 = jnp.where(mt == 1, t1, g1)
                row32 = r >> 2
                cb = (r & 3) * 32
                outf[row32, pl.ds(cb, 16)] = g0
                outf[row32, pl.ds(cb + 16, 16)] = g1
                return c3

            lax.fori_loop(r0, r1, rloop, 0)
            return c2

        lax.fori_loop(0, ndist, dloop, 0)
        pltpu.sync_copy(outf, packed.at[f, pl.ds(wid * 32, 32), :])
        return carry

    lax.fori_loop(0, _NF, floop, 0)


def _body2(packed, ridp, res, slab_v, rows_v, rid_v, sem):
    c = lax.axis_index("c")
    s = lax.axis_index("s")
    wid = s * _NC + c

    def floop(f, carry):
        pltpu.sync_copy(packed.at[f, pl.ds(wid * 32, 32), :], slab_v)
        pltpu.sync_copy(ridp.at[f, wid, :], rid_v)

        def mv(t, c2):
            r = t >> 1
            half = lax.bitwise_and(t, 1) * 16
            rows_v[r, pl.ds(half, 16)] = slab_v[
                r >> 2, pl.ds((lax.bitwise_and(r, 3)) * 32 + half, 16)
            ]
            return c2

        lax.fori_loop(0, 256, mv, 0, unroll=8)
        pltpu.async_copy(rows_v, res.at[rid_v], sem).wait()
        return carry

    lax.fori_loop(0, _NF, floop, 0)


@jax.jit
def kernel(x, W):
    mesh = plsc.VectorSubcoreMesh(
        core_axis_name="c", subcore_axis_name="s", num_cores=_NC, num_subcores=_NS
    )
    iota_b = lax.broadcasted_iota(jnp.int32, x.shape, 0)
    xs, perm = lax.sort((x, iota_b), dimension=0, num_keys=1)
    w3 = W.T.reshape(4, 8, _NV)
    wtail = W[_TAIL0:, :]

    packed, ridp = pl.kernel(
        _body1,
        out_type=(
            jax.ShapeDtypeStruct((_NF, 1024, 128), jnp.float32),
            jax.ShapeDtypeStruct((_NF, _NW, _BPW), jnp.int32),
        ),
        mesh=mesh,
        scratch_types=[
            pltpu.VMEM((_NF, _BPW), jnp.int32),
            pltpu.VMEM((_NF, _BPW), jnp.int32),
            pltpu.VMEM((64, 32), jnp.float32),
            pltpu.VMEM((_BPW,), jnp.int32),
            pltpu.VMEM((144,), jnp.int32),
            pltpu.VMEM((160,), jnp.int32),
            pltpu.VMEM((160,), jnp.int32),
            pltpu.VMEM((2, 4, 8, _BUFW), jnp.float32),
            pltpu.VMEM((32, 128), jnp.float32),
            pltpu.SemaphoreType.DMA,
        ],
        compiler_params=pltpu.CompilerParams(
            use_tc_tiling_on_sc=True, needs_layout_passes=False
        ),
    )(w3, xs.T, perm.T, wtail)

    res = pl.kernel(
        _body2,
        out_type=jax.ShapeDtypeStruct((_BATCH * _NF, 32), jnp.float32),
        mesh=mesh,
        scratch_types=[
            pltpu.VMEM((32, 128), jnp.float32),
            pltpu.VMEM((_BPW, 32), jnp.float32),
            pltpu.VMEM((_BPW,), jnp.int32),
            pltpu.SemaphoreType.DMA,
        ],
        compiler_params=pltpu.CompilerParams(
            use_tc_tiling_on_sc=False, needs_layout_passes=False
        ),
    )(packed, ridp)

    return res.reshape(_BATCH, _NF, 32)

# --- scband reference (transcript-rebuilt; emitter-appended) ---
"""Pipeline reference for scband-features-embedding-58274116272322 (READ-ONLY COPY).

The authoritative reference and input builder live on the scoring server;
editing this copy changes nothing except your own understanding.
"""

import jax, jax.numpy as jnp
import numpy as np

FIELD_DIMS = np.array([100000] * 26, dtype=np.int64)
OFFSETS = np.concatenate(([0], np.cumsum(FIELD_DIMS)[:-1])).astype(np.int32)
NUM_EMBEDDINGS = int(FIELD_DIMS.sum())  # 2,600,000
EMBED_DIM = 32
BATCH = 4096
N_FIELDS = 26


def setup_inputs(seed: int = 0) -> dict:
    key = jax.random.key(seed)
    k1, k2 = jax.random.split(key)
    x = jax.random.randint(k1, (BATCH, N_FIELDS), 0, 100000, dtype=jnp.int32)
    # xavier_uniform init for embedding weight [num_embeddings, embed_dim]
    bound = float(np.sqrt(6.0 / (NUM_EMBEDDINGS + EMBED_DIM)))
    W = jax.random.uniform(k2, (NUM_EMBEDDINGS, EMBED_DIM), dtype=jnp.float32, minval=-bound, maxval=bound)
    return {"x": x, "W": W}


def reference(x, W):
    # x = x + offsets.unsqueeze(0)
    idx = x + jnp.asarray(OFFSETS, dtype=x.dtype)[None, :]
    # embedding lookup -> [batch, n_fields, embed_dim]
    return jnp.take(W, idx, axis=0)

if __name__ == "__main__":
    import jax
    _d = setup_inputs()
    print(jax.jit(kernel)(*tuple(_d.values())))

</pallas_src>

<mosaic_0001>
#map = affine_map<(d0, d1) -> (0, 0, 0)>
#map1 = affine_map<(d0, d1) -> (0, 0)>
module attributes {stable_mosaic.version = 14 : i64} {
  func.func @_body1(%arg0: i32, %arg1: i32, %arg2: memref<4x8x2600000xf32, #tpu.memory_space<hbm>>, %arg3: memref<26x4096xi32, #tpu.memory_space<hbm>>, %arg4: memref<26x4096xi32, #tpu.memory_space<hbm>>, %arg5: memref<64x32xf32, #tpu.memory_space<hbm>>, %arg6: memref<26x1024x128xf32, #tpu.memory_space<hbm>>, %arg7: memref<26x32x128xi32, #tpu.memory_space<hbm>>, %arg8: memref<26x128xi32, #tpu.memory_space<vmem>>, %arg9: memref<26x128xi32, #tpu.memory_space<vmem>>, %arg10: memref<64x32xf32, #tpu.memory_space<vmem>>, %arg11: memref<128xi32, #tpu.memory_space<vmem>>, %arg12: memref<144xi32, #tpu.memory_space<vmem>>, %arg13: memref<160xi32, #tpu.memory_space<vmem>>, %arg14: memref<160xi32, #tpu.memory_space<vmem>>, %arg15: memref<2x4x8x1280xf32, #tpu.memory_space<vmem>>, %arg16: memref<32x128xf32, #tpu.memory_space<vmem>>, %arg17: memref<!tpu.dma_semaphore, #tpu.memory_space<semaphore_mem>>) attributes {dimension_semantics = [#tpu.dimension_semantics<core_parallel>, #tpu.dimension_semantics<subcore_parallel>], iteration_bounds = array<i64: 2, 16>, scalar_prefetch = 0 : i64, scratch_operands = 10 : i64, tpu.core_type = #tpu.core_type<sc_vector_subcore>, window_params = [{transform_indices = #map}, {transform_indices = #map1}, {transform_indices = #map1}, {transform_indices = #map1}, {transform_indices = #map}, {transform_indices = #map}]} {
    %mul3A = arith.constant 2 : i32
    %mul3A_0 = arith.muli %arg1, %mul3A : i32
    %add3A = arith.addi %mul3A_0, %arg0 : i32
    %mul3A_1 = arith.constant 128 : i32
    %mul3A_2 = arith.muli %add3A, %mul3A_1 : i32
    "tpu.region"() ({
      %run_scoped3A = tpu.sem_alloc : memref<!tpu.dma_semaphore, #tpu.memory_space<semaphore_mem>>
      %dma_start3A = arith.constant 0 : i32
      %dma_start3A_15 = tpu.memref_slice %arg3[%dma_start3A, %mul3A_2] : memref<26x4096xi32, #tpu.memory_space<hbm>> -> memref<26x128xi32, #tpu.memory_space<hbm>>
      %dma_start3A_16 = arith.constant 0 : i32
      %dma_start3A_17 = tpu.memref_slice %arg3[%dma_start3A_16, %mul3A_2] : memref<26x4096xi32, #tpu.memory_space<hbm>> -> memref<26x128xi32, #tpu.memory_space<hbm>>
      tpu.enqueue_dma source(%dma_start3A_17 : memref<26x128xi32, #tpu.memory_space<hbm>>) target(%arg8 : memref<26x128xi32, #tpu.memory_space<vmem>>) target_semaphore(%run_scoped3A : memref<!tpu.dma_semaphore, #tpu.memory_space<semaphore_mem>>)
      %dma_wait3A = arith.constant 0 : i32
      %dma_wait3A_18 = tpu.memref_slice %arg3[%dma_wait3A, %mul3A_2] : memref<26x4096xi32, #tpu.memory_space<hbm>> -> memref<26x128xi32, #tpu.memory_space<hbm>>
      %dma_wait3A_19 = arith.constant 0 : i32
      %dma_wait3A_20 = tpu.memref_slice %arg3[%dma_wait3A_19, %mul3A_2] : memref<26x4096xi32, #tpu.memory_space<hbm>> -> memref<26x128xi32, #tpu.memory_space<hbm>>
      tpu.wait_dma2 semaphore(%run_scoped3A : memref<!tpu.dma_semaphore, #tpu.memory_space<semaphore_mem>>) src(%dma_wait3A_20 : memref<26x128xi32, #tpu.memory_space<hbm>>) dst(%arg8 : memref<26x128xi32, #tpu.memory_space<vmem>>)
      tpu.yield
    }) : () -> ()
    "tpu.region"() ({
      %run_scoped3A = tpu.sem_alloc : memref<!tpu.dma_semaphore, #tpu.memory_space<semaphore_mem>>
      %dma_start3A = arith.constant 0 : i32
      %dma_start3A_15 = tpu.memref_slice %arg4[%dma_start3A, %mul3A_2] : memref<26x4096xi32, #tpu.memory_space<hbm>> -> memref<26x128xi32, #tpu.memory_space<hbm>>
      %dma_start3A_16 = arith.constant 0 : i32
      %dma_start3A_17 = tpu.memref_slice %arg4[%dma_start3A_16, %mul3A_2] : memref<26x4096xi32, #tpu.memory_space<hbm>> -> memref<26x128xi32, #tpu.memory_space<hbm>>
      tpu.enqueue_dma source(%dma_start3A_17 : memref<26x128xi32, #tpu.memory_space<hbm>>) target(%arg9 : memref<26x128xi32, #tpu.memory_space<vmem>>) target_semaphore(%run_scoped3A : memref<!tpu.dma_semaphore, #tpu.memory_space<semaphore_mem>>)
      %dma_wait3A = arith.constant 0 : i32
      %dma_wait3A_18 = tpu.memref_slice %arg4[%dma_wait3A, %mul3A_2] : memref<26x4096xi32, #tpu.memory_space<hbm>> -> memref<26x128xi32, #tpu.memory_space<hbm>>
      %dma_wait3A_19 = arith.constant 0 : i32
      %dma_wait3A_20 = tpu.memref_slice %arg4[%dma_wait3A_19, %mul3A_2] : memref<26x4096xi32, #tpu.memory_space<hbm>> -> memref<26x128xi32, #tpu.memory_space<hbm>>
      tpu.wait_dma2 semaphore(%run_scoped3A : memref<!tpu.dma_semaphore, #tpu.memory_space<semaphore_mem>>) src(%dma_wait3A_20 : memref<26x128xi32, #tpu.memory_space<hbm>>) dst(%arg9 : memref<26x128xi32, #tpu.memory_space<vmem>>)
      tpu.yield
    }) : () -> ()
    "tpu.region"() ({
      %run_scoped3A = tpu.sem_alloc : memref<!tpu.dma_semaphore, #tpu.memory_space<semaphore_mem>>
      tpu.enqueue_dma source(%arg5 : memref<64x32xf32, #tpu.memory_space<hbm>>) target(%arg10 : memref<64x32xf32, #tpu.memory_space<vmem>>) target_semaphore(%run_scoped3A : memref<!tpu.dma_semaphore, #tpu.memory_space<semaphore_mem>>)
      tpu.wait_dma2 semaphore(%run_scoped3A : memref<!tpu.dma_semaphore, #tpu.memory_space<semaphore_mem>>) src(%arg5 : memref<64x32xf32, #tpu.memory_space<hbm>>) dst(%arg10 : memref<64x32xf32, #tpu.memory_space<vmem>>)
      tpu.yield
    }) : () -> ()
    %iota3A = tpu.iota {dimensions = array<i32: 0>} : vector<16xi32>
    %shift_right_logical3A = arith.constant 3 : i32
    %shift_right_logical3A_3 = vector.broadcast %shift_right_logical3A : i32 to vector<16xi32>
    %shift_right_logical3A_4 = arith.shrui %iota3A, %shift_right_logical3A_3 : vector<16xi32>
    %add3A_5 = arith.constant 2 : i32
    %add3A_6 = vector.broadcast %add3A_5 : i32 to vector<16xi32>
    %add3A_7 = arith.addi %shift_right_logical3A_4, %add3A_6 : vector<16xi32>
    %and3A = arith.constant 7 : i32
    %and3A_8 = vector.broadcast %and3A : i32 to vector<16xi32>
    %and3A_9 = arith.andi %iota3A, %and3A_8 : vector<16xi32>
    %scan3A = arith.constant 0 : i32
    %scan3A_10 = arith.constant 0 : i32
    %scan3A_11 = arith.constant 26 : i32
    %scan3A_12 = arith.addi %scan3A_10, %scan3A_11 : i32
    %scan3A_13 = arith.constant 1 : i32
    scf.for %scan3A_15 = %scan3A_10 to %scan3A_12 step %scan3A_13  : i32 {
      %mul3A_16 = arith.constant 100000 : i32
      %mul3A_17 = arith.muli %scan3A_15, %mul3A_16 : i32
      %scan3A_18 = arith.constant 0 : i32
      %scan3A_19 = arith.constant 0 : i32
      %scan3A_20 = arith.constant 8 : i32
      %scan3A_21 = arith.addi %scan3A_19, %scan3A_20 : i32
      %scan3A_22 = arith.constant 4 : i32
      scf.for %scan3A_216 = %scan3A_19 to %scan3A_21 step %scan3A_22  : i32 {
        %mul3A_217 = arith.constant 16 : i32
        %mul3A_218 = arith.muli %scan3A_216, %mul3A_217 : i32
        %get3A_219 = arith.index_cast %scan3A_15 : i32 to index
        %get3A_220 = arith.index_cast %mul3A_218 : i32 to index
        %get3A_221 = tpu.vector_load %arg9[%get3A_219, %get3A_220] {strides = array<i32>} : memref<26x128xi32, #tpu.memory_space<vmem>>, vector<16xi32>,
        %mul3A_222 = arith.constant 26 : i32
        %mul3A_223 = vector.broadcast %mul3A_222 : i32 to vector<16xi32>
        %mul3A_224 = arith.muli %get3A_221, %mul3A_223 : vector<16xi32>
        %add3A_225 = vector.broadcast %scan3A_15 : i32 to vector<16xi32>
        %add3A_226 = arith.addi %mul3A_224, %add3A_225 : vector<16xi32>
        %mul3A_227 = arith.constant 16 : i32
        %mul3A_228 = arith.muli %scan3A_216, %mul3A_227 : i32
        %swap3A_229 = arith.index_cast %mul3A_228 : i32 to index
        %swap3A_230 = tpu.vector_load %arg11[%swap3A_229] {strides = array<i32>} : memref<128xi32, #tpu.memory_space<vmem>>, vector<16xi32>,
        tpu.vector_store %arg11[%swap3A_229], %add3A_226 {strides = array<i32>} : memref<128xi32, #tpu.memory_space<vmem>>, vector<16xi32>,
        %scan3A_231 = arith.constant 1 : i32
        %scan3A_232 = arith.addi %scan3A_216, %scan3A_231 : i32
        %mul3A_233 = arith.constant 16 : i32
        %mul3A_234 = arith.muli %scan3A_232, %mul3A_233 : i32
        %get3A_235 = arith.index_cast %scan3A_15 : i32 to index
        %get3A_236 = arith.index_cast %mul3A_234 : i32 to index
        %get3A_237 = tpu.vector_load %arg9[%get3A_235, %get3A_236] {strides = array<i32>} : memref<26x128xi32, #tpu.memory_space<vmem>>, vector<16xi32>,
        %mul3A_238 = arith.constant 26 : i32
        %mul3A_239 = vector.broadcast %mul3A_238 : i32 to vector<16xi32>
        %mul3A_240 = arith.muli %get3A_237, %mul3A_239 : vector<16xi32>
        %add3A_241 = vector.broadcast %scan3A_15 : i32 to vector<16xi32>
        %add3A_242 = arith.addi %mul3A_240, %add3A_241 : vector<16xi32>
        %mul3A_243 = arith.constant 16 : i32
        %mul3A_244 = arith.muli %scan3A_232, %mul3A_243 : i32
        %swap3A_245 = arith.index_cast %mul3A_244 : i32 to index
        %swap3A_246 = tpu.vector_load %arg11[%swap3A_245] {strides = array<i32>} : memref<128xi32, #tpu.memory_space<vmem>>, vector<16xi32>,
        tpu.vector_store %arg11[%swap3A_245], %add3A_242 {strides = array<i32>} : memref<128xi32, #tpu.memory_space<vmem>>, vector<16xi32>,
        %scan3A_247 = arith.constant 2 : i32
        %scan3A_248 = arith.addi %scan3A_216, %scan3A_247 : i32
        %mul3A_249 = arith.constant 16 : i32
        %mul3A_250 = arith.muli %scan3A_248, %mul3A_249 : i32
        %get3A_251 = arith.index_cast %scan3A_15 : i32 to index
        %get3A_252 = arith.index_cast %mul3A_250 : i32 to index
        %get3A_253 = tpu.vector_load %arg9[%get3A_251, %get3A_252] {strides = array<i32>} : memref<26x128xi32, #tpu.memory_space<vmem>>, vector<16xi32>,
        %mul3A_254 = arith.constant 26 : i32
        %mul3A_255 = vector.broadcast %mul3A_254 : i32 to vector<16xi32>
        %mul3A_256 = arith.muli %get3A_253, %mul3A_255 : vector<16xi32>
        %add3A_257 = vector.broadcast %scan3A_15 : i32 to vector<16xi32>
        %add3A_258 = arith.addi %mul3A_256, %add3A_257 : vector<16xi32>
        %mul3A_259 = arith.constant 16 : i32
        %mul3A_260 = arith.muli %scan3A_248, %mul3A_259 : i32
        %swap3A_261 = arith.index_cast %mul3A_260 : i32 to index
        %swap3A_262 = tpu.vector_load %arg11[%swap3A_261] {strides = array<i32>} : memref<128xi32, #tpu.memory_space<vmem>>, vector<16xi32>,
        tpu.vector_store %arg11[%swap3A_261], %add3A_258 {strides = array<i32>} : memref<128xi32, #tpu.memory_space<vmem>>, vector<16xi32>,
        %scan3A_263 = arith.constant 3 : i32
        %scan3A_264 = arith.addi %scan3A_216, %scan3A_263 : i32
        %mul3A_265 = arith.constant 16 : i32
        %mul3A_266 = arith.muli %scan3A_264, %mul3A_265 : i32
        %get3A_267 = arith.index_cast %scan3A_15 : i32 to index
        %get3A_268 = arith.index_cast %mul3A_266 : i32 to index
        %get3A_269 = tpu.vector_load %arg9[%get3A_267, %get3A_268] {strides = array<i32>} : memref<26x128xi32, #tpu.memory_space<vmem>>, vector<16xi32>,
        %mul3A_270 = arith.constant 26 : i32
        %mul3A_271 = vector.broadcast %mul3A_270 : i32 to vector<16xi32>
        %mul3A_272 = arith.muli %get3A_269, %mul3A_271 : vector<16xi32>
        %add3A_273 = vector.broadcast %scan3A_15 : i32 to vector<16xi32>
        %add3A_274 = arith.addi %mul3A_272, %add3A_273 : vector<16xi32>
        %mul3A_275 = arith.constant 16 : i32
        %mul3A_276 = arith.muli %scan3A_264, %mul3A_275 : i32
        %swap3A_277 = arith.index_cast %mul3A_276 : i32 to index
        %swap3A_278 = tpu.vector_load %arg11[%swap3A_277] {strides = array<i32>} : memref<128xi32, #tpu.memory_space<vmem>>, vector<16xi32>,
        tpu.vector_store %arg11[%swap3A_277], %add3A_274 {strides = array<i32>} : memref<128xi32, #tpu.memory_space<vmem>>, vector<16xi32>,
      }
      %scan3A_23 = arith.constant 8 : i32
      "tpu.region"() ({
        %run_scoped3A = tpu.sem_alloc : memref<!tpu.dma_semaphore, #tpu.memory_space<semaphore_mem>>
        %dma_start3A_216 = arith.constant 0 : i32
        %dma_start3A_217 = tpu.memref_slice %arg7[%scan3A_15, %add3A, %dma_start3A_216] : memref<26x32x128xi32, #tpu.memory_space<hbm>> -> memref<1x1x128xi32, #tpu.memory_space<hbm>>
        %dma_start3A_218 = tpu.memref_squeeze %dma_start3A_217 : memref<1x1x128xi32, #tpu.memory_space<hbm>> -> memref<128xi32, #tpu.memory_space<hbm>>
        %dma_start3A_219 = arith.constant 0 : i32
        %dma_start3A_220 = tpu.memref_slice %arg7[%scan3A_15, %add3A, %dma_start3A_219] : memref<26x32x128xi32, #tpu.memory_space<hbm>> -> memref<1x1x128xi32, #tpu.memory_space<hbm>>
        %dma_start3A_221 = tpu.memref_squeeze %dma_start3A_220 : memref<1x1x128xi32, #tpu.memory_space<hbm>> -> memref<128xi32, #tpu.memory_space<hbm>>
        tpu.enqueue_dma source(%arg11 : memref<128xi32, #tpu.memory_space<vmem>>) target(%dma_start3A_221 : memref<128xi32, #tpu.memory_space<hbm>>) target_semaphore(%run_scoped3A : memref<!tpu.dma_semaphore, #tpu.memory_space<semaphore_mem>>)
        %dma_wait3A = arith.constant 0 : i32
        %dma_wait3A_222 = tpu.memref_slice %arg7[%scan3A_15, %add3A, %dma_wait3A] : memref<26x32x128xi32, #tpu.memory_space<hbm>> -> memref<1x1x128xi32, #tpu.memory_space<hbm>>
        %dma_wait3A_223 = tpu.memref_squeeze %dma_wait3A_222 : memref<1x1x128xi32, #tpu.memory_space<hbm>> -> memref<128xi32, #tpu.memory_space<hbm>>
        %dma_wait3A_224 = arith.constant 0 : i32
        %dma_wait3A_225 = tpu.memref_slice %arg7[%scan3A_15, %add3A, %dma_wait3A_224] : memref<26x32x128xi32, #tpu.memory_space<hbm>> -> memref<1x1x128xi32, #tpu.memory_space<hbm>>
        %dma_wait3A_226 = tpu.memref_squeeze %dma_wait3A_225 : memref<1x1x128xi32, #tpu.memory_space<hbm>> -> memref<128xi32, #tpu.memory_space<hbm>>
        tpu.wait_dma2 semaphore(%run_scoped3A : memref<!tpu.dma_semaphore, #tpu.memory_space<semaphore_mem>>) src(%arg11 : memref<128xi32, #tpu.memory_space<vmem>>) dst(%dma_wait3A_226 : memref<128xi32, #tpu.memory_space<hbm>>)
        tpu.yield
      }) : () -> ()
      %get3A = arith.index_cast %scan3A_15 : i32 to index
      %get3A_24 = arith.constant 0 : index
      %get3A_25 = tpu.vector_load %arg8[%get3A, %get3A_24] {strides = array<i32>} : memref<26x128xi32, #tpu.memory_space<vmem>>, vector<16xi32>,
      %slice3A = vector.extract_strided_slice %get3A_25 {offsets = [0], sizes = [1], strides = [1]} : vector<16xi32> to vector<1xi32>
      %squeeze3A = vector.extract %slice3A[0] : i32 from vector<1xi32>
      %add3A_26 = arith.addi %squeeze3A, %mul3A_17 : i32
      %shift_right_logical3A_27 = arith.constant 10 : i32
      %shift_right_logical3A_28 = arith.shrui %add3A_26, %shift_right_logical3A_27 : i32
      %shift_left3A = arith.constant 10 : i32
      %shift_left3A_29 = arith.shli %shift_right_logical3A_28, %shift_left3A : i32
      %broadcast_in_dim3A = arith.constant -1 : i32
      %broadcast_in_dim3A_30 = vector.broadcast %broadcast_in_dim3A : i32 to vector<16xi32>
      %swap3A = arith.constant 0 : index
      %swap3A_31 = tpu.vector_load %arg12[%swap3A] {strides = array<i32>} : memref<144xi32, #tpu.memory_space<vmem>>, vector<16xi32>,
      tpu.vector_store %arg12[%swap3A], %broadcast_in_dim3A_30 {strides = array<i32>} : memref<144xi32, #tpu.memory_space<vmem>>, vector<16xi32>,
      %scan3A_32 = arith.constant 0 : i32
      %scan3A_33 = arith.constant 0 : i32
      %scan3A_34 = arith.constant 8 : i32
      %scan3A_35 = arith.addi %scan3A_33, %scan3A_34 : i32
      %scan3A_36 = arith.constant 4 : i32
      scf.for %scan3A_216 = %scan3A_33 to %scan3A_35 step %scan3A_36  : i32 {
        %mul3A_217 = arith.constant 16 : i32
        %mul3A_218 = arith.muli %scan3A_216, %mul3A_217 : i32
        %get3A_219 = arith.index_cast %scan3A_15 : i32 to index
        %get3A_220 = arith.index_cast %mul3A_218 : i32 to index
        %get3A_221 = tpu.vector_load %arg8[%get3A_219, %get3A_220] {strides = array<i32>} : memref<26x128xi32, #tpu.memory_space<vmem>>, vector<16xi32>,
        %add3A_222 = vector.broadcast %mul3A_17 : i32 to vector<16xi32>
        %add3A_223 = arith.addi %get3A_221, %add3A_222 : vector<16xi32>
        %sub3A = vector.broadcast %shift_left3A_29 : i32 to vector<16xi32>
        %sub3A_224 = arith.subi %add3A_223, %sub3A : vector<16xi32>
        %shift_right_logical3A_225 = arith.constant 10 : i32
        %shift_right_logical3A_226 = vector.broadcast %shift_right_logical3A_225 : i32 to vector<16xi32>
        %shift_right_logical3A_227 = arith.shrui %sub3A_224, %shift_right_logical3A_226 : vector<16xi32>
        %mul3A_228 = arith.constant 16 : i32
        %mul3A_229 = arith.muli %scan3A_216, %mul3A_228 : i32
        %add3A_230 = arith.constant 1 : i32
        %add3A_231 = arith.addi %add3A_230, %mul3A_229 : i32
        %swap3A_232 = arith.index_cast %add3A_231 : i32 to index
        %swap3A_233 = tpu.vector_load %arg12[%swap3A_232] {strides = array<i32>} : memref<144xi32, #tpu.memory_space<vmem>>, vector<16xi32>,
        tpu.vector_store %arg12[%swap3A_232], %shift_right_logical3A_227 {strides = array<i32>} : memref<144xi32, #tpu.memory_space<vmem>>, vector<16xi32>,
        %scan3A_234 = arith.constant 1 : i32
        %scan3A_235 = arith.addi %scan3A_216, %scan3A_234 : i32
        %mul3A_236 = arith.constant 16 : i32
        %mul3A_237 = arith.muli %scan3A_235, %mul3A_236 : i32
        %get3A_238 = arith.index_cast %scan3A_15 : i32 to index
        %get3A_239 = arith.index_cast %mul3A_237 : i32 to index
        %get3A_240 = tpu.vector_load %arg8[%get3A_238, %get3A_239] {strides = array<i32>} : memref<26x128xi32, #tpu.memory_space<vmem>>, vector<16xi32>,
        %add3A_241 = vector.broadcast %mul3A_17 : i32 to vector<16xi32>
        %add3A_242 = arith.addi %get3A_240, %add3A_241 : vector<16xi32>
        %sub3A_243 = vector.broadcast %shift_left3A_29 : i32 to vector<16xi32>
        %sub3A_244 = arith.subi %add3A_242, %sub3A_243 : vector<16xi32>
        %shift_right_logical3A_245 = arith.constant 10 : i32
        %shift_right_logical3A_246 = vector.broadcast %shift_right_logical3A_245 : i32 to vector<16xi32>
        %shift_right_logical3A_247 = arith.shrui %sub3A_244, %shift_right_logical3A_246 : vector<16xi32>
        %mul3A_248 = arith.constant 16 : i32
        %mul3A_249 = arith.muli %scan3A_235, %mul3A_248 : i32
        %add3A_250 = arith.constant 1 : i32
        %add3A_251 = arith.addi %add3A_250, %mul3A_249 : i32
        %swap3A_252 = arith.index_cast %add3A_251 : i32 to index
        %swap3A_253 = tpu.vector_load %arg12[%swap3A_252] {strides = array<i32>} : memref<144xi32, #tpu.memory_space<vmem>>, vector<16xi32>,
        tpu.vector_store %arg12[%swap3A_252], %shift_right_logical3A_247 {strides = array<i32>} : memref<144xi32, #tpu.memory_space<vmem>>, vector<16xi32>,
        %scan3A_254 = arith.constant 2 : i32
        %scan3A_255 = arith.addi %scan3A_216, %scan3A_254 : i32
        %mul3A_256 = arith.constant 16 : i32
        %mul3A_257 = arith.muli %scan3A_255, %mul3A_256 : i32
        %get3A_258 = arith.index_cast %scan3A_15 : i32 to index
        %get3A_259 = arith.index_cast %mul3A_257 : i32 to index
        %get3A_260 = tpu.vector_load %arg8[%get3A_258, %get3A_259] {strides = array<i32>} : memref<26x128xi32, #tpu.memory_space<vmem>>, vector<16xi32>,
        %add3A_261 = vector.broadcast %mul3A_17 : i32 to vector<16xi32>
        %add3A_262 = arith.addi %get3A_260, %add3A_261 : vector<16xi32>
        %sub3A_263 = vector.broadcast %shift_left3A_29 : i32 to vector<16xi32>
        %sub3A_264 = arith.subi %add3A_262, %sub3A_263 : vector<16xi32>
        %shift_right_logical3A_265 = arith.constant 10 : i32
        %shift_right_logical3A_266 = vector.broadcast %shift_right_logical3A_265 : i32 to vector<16xi32>
        %shift_right_logical3A_267 = arith.shrui %sub3A_264, %shift_right_logical3A_266 : vector<16xi32>
        %mul3A_268 = arith.constant 16 : i32
        %mul3A_269 = arith.muli %scan3A_255, %mul3A_268 : i32
        %add3A_270 = arith.constant 1 : i32
        %add3A_271 = arith.addi %add3A_270, %mul3A_269 : i32
        %swap3A_272 = arith.index_cast %add3A_271 : i32 to index
        %swap3A_273 = tpu.vector_load %arg12[%swap3A_272] {strides = array<i32>} : memref<144xi32, #tpu.memory_space<vmem>>, vector<16xi32>,
        tpu.vector_store %arg12[%swap3A_272], %shift_right_logical3A_267 {strides = array<i32>} : memref<144xi32, #tpu.memory_space<vmem>>, vector<16xi32>,
        %scan3A_274 = arith.constant 3 : i32
        %scan3A_275 = arith.addi %scan3A_216, %scan3A_274 : i32
        %mul3A_276 = arith.constant 16 : i32
        %mul3A_277 = arith.muli %scan3A_275, %mul3A_276 : i32
        %get3A_278 = arith.index_cast %scan3A_15 : i32 to index
        %get3A_279 = arith.index_cast %mul3A_277 : i32 to index
        %get3A_280 = tpu.vector_load %arg8[%get3A_278, %get3A_279] {strides = array<i32>} : memref<26x128xi32, #tpu.memory_space<vmem>>, vector<16xi32>,
        %add3A_281 = vector.broadcast %mul3A_17 : i32 to vector<16xi32>
        %add3A_282 = arith.addi %get3A_280, %add3A_281 : vector<16xi32>
        %sub3A_283 = vector.broadcast %shift_left3A_29 : i32 to vector<16xi32>
        %sub3A_284 = arith.subi %add3A_282, %sub3A_283 : vector<16xi32>
        %shift_right_logical3A_285 = arith.constant 10 : i32
        %shift_right_logical3A_286 = vector.broadcast %shift_right_logical3A_285 : i32 to vector<16xi32>
        %shift_right_logical3A_287 = arith.shrui %sub3A_284, %shift_right_logical3A_286 : vector<16xi32>
        %mul3A_288 = arith.constant 16 : i32
        %mul3A_289 = arith.muli %scan3A_275, %mul3A_288 : i32
        %add3A_290 = arith.constant 1 : i32
        %add3A_291 = arith.addi %add3A_290, %mul3A_289 : i32
        %swap3A_292 = arith.index_cast %add3A_291 : i32 to index
        %swap3A_293 = tpu.vector_load %arg12[%swap3A_292] {strides = array<i32>} : memref<144xi32, #tpu.memory_space<vmem>>, vector<16xi32>,
        tpu.vector_store %arg12[%swap3A_292], %shift_right_logical3A_287 {strides = array<i32>} : memref<144xi32, #tpu.memory_space<vmem>>, vector<16xi32>,
      }
      %scan3A_37 = arith.constant 8 : i32
      %get3A_38 = arith.constant 0 : index
      %get3A_39 = tpu.vector_load %arg12[%get3A_38] {strides = array<i32>} : memref<144xi32, #tpu.memory_space<vmem>>, vector<16xi32>,
      %get3A_40 = arith.constant 1 : index
      %get3A_41 = tpu.vector_load %arg12[%get3A_40] {strides = array<i32>} : memref<144xi32, #tpu.memory_space<vmem>>, vector<16xi32>,
      %ne3A = arith.cmpi ne, %get3A_41, %get3A_39 : vector<16xi32>
      %swap3A_42 = arith.constant 0 : i32
      %swap3A_43 = arith.index_cast %swap3A_42 : i32 to index
      %swap3A_44 = tpu.vector_load %arg13[%swap3A_43] masked %ne3A {strides = array<i32>} : memref<160xi32, #tpu.memory_space<vmem>>, vector<16xi32>, vector<16xi1>
      tpu.vector_store %arg13[%swap3A_43], %get3A_41 masked %ne3A {strides = array<i32>} : memref<160xi32, #tpu.memory_space<vmem>>, vector<16xi32>, vector<16xi1>
      %add3A_45 = arith.constant 0 : i32
      %add3A_46 = vector.broadcast %add3A_45 : i32 to vector<16xi32>
      %add3A_47 = arith.addi %iota3A, %add3A_46 : vector<16xi32>
      %swap3A_48 = arith.constant 0 : i32
      %swap3A_49 = arith.index_cast %swap3A_48 : i32 to index
      %swap3A_50 = tpu.vector_load %arg14[%swap3A_49] masked %ne3A {strides = array<i32>} : memref<160xi32, #tpu.memory_space<vmem>>, vector<16xi32>, vector<16xi1>
      tpu.vector_store %arg14[%swap3A_49], %add3A_47 masked %ne3A {strides = array<i32>} : memref<160xi32, #tpu.memory_space<vmem>>, vector<16xi32>, vector<16xi1>
      %all_reduce_population_count3A = tpu.all_reduce %ne3A {dim = 0 : i64, kind = #tpu.reduction_kind<sum>} : vector<16xi1> -> vector<16xi32>
      %slice3A_51 = vector.extract_strided_slice %all_reduce_population_count3A {offsets = [0], sizes = [1], strides = [1]} : vector<16xi32> to vector<1xi32>
      %squeeze3A_52 = vector.extract %slice3A_51[0] : i32 from vector<1xi32>
      %add3A_53 = arith.constant 0 : i32
      %add3A_54 = arith.addi %add3A_53, %squeeze3A_52 : i32
      %get3A_55 = arith.constant 16 : index
      %get3A_56 = tpu.vector_load %arg12[%get3A_55] {strides = array<i32>} : memref<144xi32, #tpu.memory_space<vmem>>, vector<16xi32>,
      %get3A_57 = arith.constant 17 : index
      %get3A_58 = tpu.vector_load %arg12[%get3A_57] {strides = array<i32>} : memref<144xi32, #tpu.memory_space<vmem>>, vector<16xi32>,
      %ne3A_59 = arith.cmpi ne, %get3A_58, %get3A_56 : vector<16xi32>
      %swap3A_60 = arith.index_cast %add3A_54 : i32 to index
      %swap3A_61 = tpu.vector_load %arg13[%swap3A_60] masked %ne3A_59 {strides = array<i32>} : memref<160xi32, #tpu.memory_space<vmem>>, vector<16xi32>, vector<16xi1>
      tpu.vector_store %arg13[%swap3A_60], %get3A_58 masked %ne3A_59 {strides = array<i32>} : memref<160xi32, #tpu.memory_space<vmem>>, vector<16xi32>, vector<16xi1>
      %add3A_62 = arith.constant 16 : i32
      %add3A_63 = vector.broadcast %add3A_62 : i32 to vector<16xi32>
      %add3A_64 = arith.addi %iota3A, %add3A_63 : vector<16xi32>
      %swap3A_65 = arith.index_cast %add3A_54 : i32 to index
      %swap3A_66 = tpu.vector_load %arg14[%swap3A_65] masked %ne3A_59 {strides = array<i32>} : memref<160xi32, #tpu.memory_space<vmem>>, vector<16xi32>, vector<16xi1>
      tpu.vector_store %arg14[%swap3A_65], %add3A_64 masked %ne3A_59 {strides = array<i32>} : memref<160xi32, #tpu.memory_space<vmem>>, vector<16xi32>, vector<16xi1>
      %all_reduce_population_count3A_67 = tpu.all_reduce %ne3A_59 {dim = 0 : i64, kind = #tpu.reduction_kind<sum>} : vector<16xi1> -> vector<16xi32>
      %slice3A_68 = vector.extract_strided_slice %all_reduce_population_count3A_67 {offsets = [0], sizes = [1], strides = [1]} : vector<16xi32> to vector<1xi32>
      %squeeze3A_69 = vector.extract %slice3A_68[0] : i32 from vector<1xi32>
      %add3A_70 = arith.addi %add3A_54, %squeeze3A_69 : i32
      %get3A_71 = arith.constant 32 : index
      %get3A_72 = tpu.vector_load %arg12[%get3A_71] {strides = array<i32>} : memref<144xi32, #tpu.memory_space<vmem>>, vector<16xi32>,
      %get3A_73 = arith.constant 33 : index
      %get3A_74 = tpu.vector_load %arg12[%get3A_73] {strides = array<i32>} : memref<144xi32, #tpu.memory_space<vmem>>, vector<16xi32>,
      %ne3A_75 = arith.cmpi ne, %get3A_74, %get3A_72 : vector<16xi32>
      %swap3A_76 = arith.index_cast %add3A_70 : i32 to index
      %swap3A_77 = tpu.vector_load %arg13[%swap3A_76] masked %ne3A_75 {strides = array<i32>} : memref<160xi32, #tpu.memory_space<vmem>>, vector<16xi32>, vector<16xi1>
      tpu.vector_store %arg13[%swap3A_76], %get3A_74 masked %ne3A_75 {strides = array<i32>} : memref<160xi32, #tpu.memory_space<vmem>>, vector<16xi32>, vector<16xi1>
      %add3A_78 = arith.constant 32 : i32
      %add3A_79 = vector.broadcast %add3A_78 : i32 to vector<16xi32>
      %add3A_80 = arith.addi %iota3A, %add3A_79 : vector<16xi32>
      %swap3A_81 = arith.index_cast %add3A_70 : i32 to index
      %swap3A_82 = tpu.vector_load %arg14[%swap3A_81] masked %ne3A_75 {strides = array<i32>} : memref<160xi32, #tpu.memory_space<vmem>>, vector<16xi32>, vector<16xi1>
      tpu.vector_store %arg14[%swap3A_81], %add3A_80 masked %ne3A_75 {strides = array<i32>} : memref<160xi32, #tpu.memory_space<vmem>>, vector<16xi32>, vector<16xi1>
      %all_reduce_population_count3A_83 = tpu.all_reduce %ne3A_75 {dim = 0 : i64, kind = #tpu.reduction_kind<sum>} : vector<16xi1> -> vector<16xi32>
      %slice3A_84 = vector.extract_strided_slice %all_reduce_population_count3A_83 {offsets = [0], sizes = [1], strides = [1]} : vector<16xi32> to vector<1xi32>
      %squeeze3A_85 = vector.extract %slice3A_84[0] : i32 from vector<1xi32>
      %add3A_86 = arith.addi %add3A_70, %squeeze3A_85 : i32
      %get3A_87 = arith.constant 48 : index
      %get3A_88 = tpu.vector_load %arg12[%get3A_87] {strides = array<i32>} : memref<144xi32, #tpu.memory_space<vmem>>, vector<16xi32>,
      %get3A_89 = arith.constant 49 : index
      %get3A_90 = tpu.vector_load %arg12[%get3A_89] {strides = array<i32>} : memref<144xi32, #tpu.memory_space<vmem>>, vector<16xi32>,
      %ne3A_91 = arith.cmpi ne, %get3A_90, %get3A_88 : vector<16xi32>
      %swap3A_92 = arith.index_cast %add3A_86 : i32 to index
      %swap3A_93 = tpu.vector_load %arg13[%swap3A_92] masked %ne3A_91 {strides = array<i32>} : memref<160xi32, #tpu.memory_space<vmem>>, vector<16xi32>, vector<16xi1>
      tpu.vector_store %arg13[%swap3A_92], %get3A_90 masked %ne3A_91 {strides = array<i32>} : memref<160xi32, #tpu.memory_space<vmem>>, vector<16xi32>, vector<16xi1>
      %add3A_94 = arith.constant 48 : i32
      %add3A_95 = vector.broadcast %add3A_94 : i32 to vector<16xi32>
      %add3A_96 = arith.addi %iota3A, %add3A_95 : vector<16xi32>
      %swap3A_97 = arith.index_cast %add3A_86 : i32 to index
      %swap3A_98 = tpu.vector_load %arg14[%swap3A_97] masked %ne3A_91 {strides = array<i32>} : memref<160xi32, #tpu.memory_space<vmem>>, vector<16xi32>, vector<16xi1>
      tpu.vector_store %arg14[%swap3A_97], %add3A_96 masked %ne3A_91 {strides = array<i32>} : memref<160xi32, #tpu.memory_space<vmem>>, vector<16xi32>, vector<16xi1>
      %all_reduce_population_count3A_99 = tpu.all_reduce %ne3A_91 {dim = 0 : i64, kind = #tpu.reduction_kind<sum>} : vector<16xi1> -> vector<16xi32>
      %slice3A_100 = vector.extract_strided_slice %all_reduce_population_count3A_99 {offsets = [0], sizes = [1], strides = [1]} : vector<16xi32> to vector<1xi32>
      %squeeze3A_101 = vector.extract %slice3A_100[0] : i32 from vector<1xi32>
      %add3A_102 = arith.addi %add3A_86, %squeeze3A_101 : i32
      %get3A_103 = arith.constant 64 : index
      %get3A_104 = tpu.vector_load %arg12[%get3A_103] {strides = array<i32>} : memref<144xi32, #tpu.memory_space<vmem>>, vector<16xi32>,
      %get3A_105 = arith.constant 65 : index
      %get3A_106 = tpu.vector_load %arg12[%get3A_105] {strides = array<i32>} : memref<144xi32, #tpu.memory_space<vmem>>, vector<16xi32>,
      %ne3A_107 = arith.cmpi ne, %get3A_106, %get3A_104 : vector<16xi32>
      %swap3A_108 = arith.index_cast %add3A_102 : i32 to index
      %swap3A_109 = tpu.vector_load %arg13[%swap3A_108] masked %ne3A_107 {strides = array<i32>} : memref<160xi32, #tpu.memory_space<vmem>>, vector<16xi32>, vector<16xi1>
      tpu.vector_store %arg13[%swap3A_108], %get3A_106 masked %ne3A_107 {strides = array<i32>} : memref<160xi32, #tpu.memory_space<vmem>>, vector<16xi32>, vector<16xi1>
      %add3A_110 = arith.constant 64 : i32
      %add3A_111 = vector.broadcast %add3A_110 : i32 to vector<16xi32>
      %add3A_112 = arith.addi %iota3A, %add3A_111 : vector<16xi32>
      %swap3A_113 = arith.index_cast %add3A_102 : i32 to index
      %swap3A_114 = tpu.vector_load %arg14[%swap3A_113] masked %ne3A_107 {strides = array<i32>} : memref<160xi32, #tpu.memory_space<vmem>>, vector<16xi32>, vector<16xi1>
      tpu.vector_store %arg14[%swap3A_113], %add3A_112 masked %ne3A_107 {strides = array<i32>} : memref<160xi32, #tpu.memory_space<vmem>>, vector<16xi32>, vector<16xi1>
      %all_reduce_population_count3A_115 = tpu.all_reduce %ne3A_107 {dim = 0 : i64, kind = #tpu.reduction_kind<sum>} : vector<16xi1> -> vector<16xi32>
      %slice3A_116 = vector.extract_strided_slice %all_reduce_population_count3A_115 {offsets = [0], sizes = [1], strides = [1]} : vector<16xi32> to vector<1xi32>
      %squeeze3A_117 = vector.extract %slice3A_116[0] : i32 from vector<1xi32>
      %add3A_118 = arith.addi %add3A_102, %squeeze3A_117 : i32
      %get3A_119 = arith.constant 80 : index
      %get3A_120 = tpu.vector_load %arg12[%get3A_119] {strides = array<i32>} : memref<144xi32, #tpu.memory_space<vmem>>, vector<16xi32>,
      %get3A_121 = arith.constant 81 : index
      %get3A_122 = tpu.vector_load %arg12[%get3A_121] {strides = array<i32>} : memref<144xi32, #tpu.memory_space<vmem>>, vector<16xi32>,
      %ne3A_123 = arith.cmpi ne, %get3A_122, %get3A_120 : vector<16xi32>
      %swap3A_124 = arith.index_cast %add3A_118 : i32 to index
      %swap3A_125 = tpu.vector_load %arg13[%swap3A_124] masked %ne3A_123 {strides = array<i32>} : memref<160xi32, #tpu.memory_space<vmem>>, vector<16xi32>, vector<16xi1>
      tpu.vector_store %arg13[%swap3A_124], %get3A_122 masked %ne3A_123 {strides = array<i32>} : memref<160xi32, #tpu.memory_space<vmem>>, vector<16xi32>, vector<16xi1>
      %add3A_126 = arith.constant 80 : i32
      %add3A_127 = vector.broadcast %add3A_126 : i32 to vector<16xi32>
      %add3A_128 = arith.addi %iota3A, %add3A_127 : vector<16xi32>
      %swap3A_129 = arith.index_cast %add3A_118 : i32 to index
      %swap3A_130 = tpu.vector_load %arg14[%swap3A_129] masked %ne3A_123 {strides = array<i32>} : memref<160xi32, #tpu.memory_space<vmem>>, vector<16xi32>, vector<16xi1>
      tpu.vector_store %arg14[%swap3A_129], %add3A_128 masked %ne3A_123 {strides = array<i32>} : memref<160xi32, #tpu.memory_space<vmem>>, vector<16xi32>, vector<16xi1>
      %all_reduce_population_count3A_131 = tpu.all_reduce %ne3A_123 {dim = 0 : i64, kind = #tpu.reduction_kind<sum>} : vector<16xi1> -> vector<16xi32>
      %slice3A_132 = vector.extract_strided_slice %all_reduce_population_count3A_131 {offsets = [0], sizes = [1], strides = [1]} : vector<16xi32> to vector<1xi32>
      %squeeze3A_133 = vector.extract %slice3A_132[0] : i32 from vector<1xi32>
      %add3A_134 = arith.addi %add3A_118, %squeeze3A_133 : i32
      %get3A_135 = arith.constant 96 : index
      %get3A_136 = tpu.vector_load %arg12[%get3A_135] {strides = array<i32>} : memref<144xi32, #tpu.memory_space<vmem>>, vector<16xi32>,
      %get3A_137 = arith.constant 97 : index
      %get3A_138 = tpu.vector_load %arg12[%get3A_137] {strides = array<i32>} : memref<144xi32, #tpu.memory_space<vmem>>, vector<16xi32>,
      %ne3A_139 = arith.cmpi ne, %get3A_138, %get3A_136 : vector<16xi32>
      %swap3A_140 = arith.index_cast %add3A_134 : i32 to index
      %swap3A_141 = tpu.vector_load %arg13[%swap3A_140] masked %ne3A_139 {strides = array<i32>} : memref<160xi32, #tpu.memory_space<vmem>>, vector<16xi32>, vector<16xi1>
      tpu.vector_store %arg13[%swap3A_140], %get3A_138 masked %ne3A_139 {strides = array<i32>} : memref<160xi32, #tpu.memory_space<vmem>>, vector<16xi32>, vector<16xi1>
      %add3A_142 = arith.constant 96 : i32
      %add3A_143 = vector.broadcast %add3A_142 : i32 to vector<16xi32>
      %add3A_144 = arith.addi %iota3A, %add3A_143 : vector<16xi32>
      %swap3A_145 = arith.index_cast %add3A_134 : i32 to index
      %swap3A_146 = tpu.vector_load %arg14[%swap3A_145] masked %ne3A_139 {strides = array<i32>} : memref<160xi32, #tpu.memory_space<vmem>>, vector<16xi32>, vector<16xi1>
      tpu.vector_store %arg14[%swap3A_145], %add3A_144 masked %ne3A_139 {strides = array<i32>} : memref<160xi32, #tpu.memory_space<vmem>>, vector<16xi32>, vector<16xi1>
      %all_reduce_population_count3A_147 = tpu.all_reduce %ne3A_139 {dim = 0 : i64, kind = #tpu.reduction_kind<sum>} : vector<16xi1> -> vector<16xi32>
      %slice3A_148 = vector.extract_strided_slice %all_reduce_population_count3A_147 {offsets = [0], sizes = [1], strides = [1]} : vector<16xi32> to vector<1xi32>
      %squeeze3A_149 = vector.extract %slice3A_148[0] : i32 from vector<1xi32>
      %add3A_150 = arith.addi %add3A_134, %squeeze3A_149 : i32
      %get3A_151 = arith.constant 112 : index
      %get3A_152 = tpu.vector_load %arg12[%get3A_151] {strides = array<i32>} : memref<144xi32, #tpu.memory_space<vmem>>, vector<16xi32>,
      %get3A_153 = arith.constant 113 : index
      %get3A_154 = tpu.vector_load %arg12[%get3A_153] {strides = array<i32>} : memref<144xi32, #tpu.memory_space<vmem>>, vector<16xi32>,
      %ne3A_155 = arith.cmpi ne, %get3A_154, %get3A_152 : vector<16xi32>
      %swap3A_156 = arith.index_cast %add3A_150 : i32 to index
      %swap3A_157 = tpu.vector_load %arg13[%swap3A_156] masked %ne3A_155 {strides = array<i32>} : memref<160xi32, #tpu.memory_space<vmem>>, vector<16xi32>, vector<16xi1>
      tpu.vector_store %arg13[%swap3A_156], %get3A_154 masked %ne3A_155 {strides = array<i32>} : memref<160xi32, #tpu.memory_space<vmem>>, vector<16xi32>, vector<16xi1>
      %add3A_158 = arith.constant 112 : i32
      %add3A_159 = vector.broadcast %add3A_158 : i32 to vector<16xi32>
      %add3A_160 = arith.addi %iota3A, %add3A_159 : vector<16xi32>
      %swap3A_161 = arith.index_cast %add3A_150 : i32 to index
      %swap3A_162 = tpu.vector_load %arg14[%swap3A_161] masked %ne3A_155 {strides = array<i32>} : memref<160xi32, #tpu.memory_space<vmem>>, vector<16xi32>, vector<16xi1>
      tpu.vector_store %arg14[%swap3A_161], %add3A_160 masked %ne3A_155 {strides = array<i32>} : memref<160xi32, #tpu.memory_space<vmem>>, vector<16xi32>, vector<16xi1>
      %all_reduce_population_count3A_163 = tpu.all_reduce %ne3A_155 {dim = 0 : i64, kind = #tpu.reduction_kind<sum>} : vector<16xi1> -> vector<16xi32>
      %slice3A_164 = vector.extract_strided_slice %all_reduce_population_count3A_163 {offsets = [0], sizes = [1], strides = [1]} : vector<16xi32> to vector<1xi32>
      %squeeze3A_165 = vector.extract %slice3A_164[0] : i32 from vector<1xi32>
      %add3A_166 = arith.addi %add3A_150, %squeeze3A_165 : i32
      %broadcast_in_dim3A_167 = arith.constant 128 : i32
      %broadcast_in_dim3A_168 = vector.broadcast %broadcast_in_dim3A_167 : i32 to vector<16xi32>
      %swap3A_169 = arith.index_cast %add3A_166 : i32 to index
      %swap3A_170 = tpu.vector_load %arg14[%swap3A_169] {strides = array<i32>} : memref<160xi32, #tpu.memory_space<vmem>>, vector<16xi32>,
      tpu.vector_store %arg14[%swap3A_169], %broadcast_in_dim3A_168 {strides = array<i32>} : memref<160xi32, #tpu.memory_space<vmem>>, vector<16xi32>,
      %shift_right_arithmetic3A = arith.constant 0 : i32
      %shift_right_arithmetic3A_171 = arith.constant 4 : i32
      %shift_right_arithmetic3A_172 = arith.shrsi %shift_right_arithmetic3A, %shift_right_arithmetic3A_171 : i32
      %shift_left3A_173 = arith.constant 4 : i32
      %shift_left3A_174 = arith.shli %shift_right_arithmetic3A_172, %shift_left3A_173 : i32
      %get3A_175 = arith.index_cast %shift_left3A_174 : i32 to index
      %get3A_176 = tpu.vector_load %arg13[%get3A_175] {strides = array<i32>} : memref<160xi32, #tpu.memory_space<vmem>>, vector<16xi32>,
      %and3A_177 = arith.constant 0 : i32
      %and3A_178 = arith.constant 15 : i32
      %and3A_179 = arith.andi %and3A_177, %and3A_178 : i32
      %eq3A = vector.broadcast %and3A_179 : i32 to vector<16xi32>
      %eq3A_180 = arith.cmpi eq, %iota3A, %eq3A : vector<16xi32>
      %jit3A = arith.constant 0 : i32
      %broadcast_in_dim3A_181 = vector.broadcast %jit3A : i32 to vector<16xi32>
      %select_n3A = arith.select %eq3A_180, %get3A_176, %broadcast_in_dim3A_181 : vector<16xi1>, vector<16xi32>
      %reduce_sum3A = arith.constant true
      %reduce_sum3A_182 = vector.broadcast %reduce_sum3A : i1 to vector<16xi1>
      %reduce_sum3A_183 = tpu.scan <sum>, %select_n3A masked %reduce_sum3A_182 : vector<16xi32>, vector<16xi1> -> vector<16xi32>
      %reduce_sum3A_184 = vector.extract %reduce_sum3A_183[15] : i32 from vector<16xi32>
      %mul3A_185 = arith.constant 1024 : i32
      %mul3A_186 = arith.muli %reduce_sum3A_184, %mul3A_185 : i32
      %add3A_187 = arith.addi %shift_left3A_29, %mul3A_186 : i32
      %min3A = arith.constant 2598784 : i32
      %min3A_188 = arith.minsi %add3A_187, %min3A : i32
      %multiple_of3A = tpu.assume_multiple %min3A_188, 128 : i32
      %dma_start3A = arith.constant 0 : i32
      %dma_start3A_189 = arith.constant 0 : i32
      %dma_start3A_190 = arith.constant 0 : i32
      %dma_start3A_191 = arith.constant 0 : i32
      %dma_start3A_192 = tpu.memref_slice %arg15[%dma_start3A, %dma_start3A_189, %dma_start3A_190, %dma_start3A_191] : memref<2x4x8x1280xf32, #tpu.memory_space<vmem>> -> memref<1x4x8x1152xf32, #tpu.memory_space<vmem>>
      %dma_start3A_193 = tpu.memref_squeeze %dma_start3A_192 : memref<1x4x8x1152xf32, #tpu.memory_space<vmem>> -> memref<4x8x1152xf32, #tpu.memory_space<vmem>>
      %dma_start3A_194 = arith.constant 0 : i32
      %dma_start3A_195 = arith.constant 0 : i32
      %dma_start3A_196 = tpu.memref_slice %arg2[%dma_start3A_194, %dma_start3A_195, %multiple_of3A] : memref<4x8x2600000xf32, #tpu.memory_space<hbm>> -> memref<4x8x1152xf32, #tpu.memory_space<hbm>>
      %dma_start3A_197 = arith.constant 0 : i32
      %dma_start3A_198 = arith.constant 0 : i32
      %dma_start3A_199 = arith.constant 0 : i32
      %dma_start3A_200 = tpu.memref_slice %arg15[%dma_start3A, %dma_start3A_197, %dma_start3A_198, %dma_start3A_199] : memref<2x4x8x1280xf32, #tpu.memory_space<vmem>> -> memref<1x4x8x1152xf32, #tpu.memory_space<vmem>>
      %dma_start3A_201 = tpu.memref_squeeze %dma_start3A_200 : memref<1x4x8x1152xf32, #tpu.memory_space<vmem>> -> memref<4x8x1152xf32, #tpu.memory_space<vmem>>
      %dma_start3A_202 = arith.constant 0 : i32
      %dma_start3A_203 = arith.constant 0 : i32
      %dma_start3A_204 = tpu.memref_slice %arg2[%dma_start3A_202, %dma_start3A_203, %multiple_of3A] : memref<4x8x2600000xf32, #tpu.memory_space<hbm>> -> memref<4x8x1152xf32, #tpu.memory_space<hbm>>
      tpu.enqueue_dma source(%dma_start3A_204 : memref<4x8x1152xf32, #tpu.memory_space<hbm>>) target(%dma_start3A_201 : memref<4x8x1152xf32, #tpu.memory_space<vmem>>) target_semaphore(%arg17 : memref<!tpu.dma_semaphore, #tpu.memory_space<semaphore_mem>>)
      %while3A = arith.constant 0 : i32
      %while3A_205 = arith.constant 0 : i32
      %while3A_206 = arith.subi %add3A_166, %while3A_205 : i32
      %while3A_207 = arith.addi %while3A_205, %while3A_206 : i32
      %while3A_208 = arith.constant 1 : i32
      %while3A_209 = arith.divsi %while3A_206, %while3A_208 : i32
      %while3A_210 = arith.muli %while3A_209, %while3A_208 : i32
      %while3A_211 = arith.addi %while3A_205, %while3A_210 : i32
      %while3A_212 = arith.constant 1 : i32
      scf.for %while3A_216 = %while3A_205 to %while3A_211 step %while3A_212  : i32 {
        %jit3A_217 = arith.constant 2 : i32
        %eq3A_218 = arith.constant 0 : i32
        %eq3A_219 = arith.cmpi eq, %jit3A_217, %eq3A_218 : i32
        %jit3A_220 = arith.constant 1 : i32
        %select_n3A_221 = arith.select %eq3A_219, %jit3A_220, %jit3A_217 : i32
        %rem3A = arith.remsi %while3A_216, %select_n3A_221 : i32
        %ne3A_222 = arith.constant 0 : i32
        %ne3A_223 = arith.cmpi ne, %rem3A, %ne3A_222 : i32
        %lt3A = arith.constant 0 : i32
        %lt3A_224 = arith.cmpi slt, %rem3A, %lt3A : i32
        %lt3A_225 = arith.constant 0 : i32
        %lt3A_226 = arith.cmpi slt, %select_n3A_221, %lt3A_225 : i32
        %ne3A_227 = arith.xori %lt3A_224, %lt3A_226 : i1
        %and3A_228 = arith.andi %ne3A_227, %ne3A_223 : i1
        %add3A_229 = arith.addi %rem3A, %select_n3A_221 : i32
        %select_n3A_230 = arith.select %and3A_228, %add3A_229, %rem3A : i32
        %dma_wait3A = arith.constant 0 : i32
        %dma_wait3A_231 = arith.constant 0 : i32
        %dma_wait3A_232 = arith.constant 0 : i32
        %dma_wait3A_233 = tpu.memref_slice %arg15[%select_n3A_230, %dma_wait3A, %dma_wait3A_231, %dma_wait3A_232] : memref<2x4x8x1280xf32, #tpu.memory_space<vmem>> -> memref<1x4x8x1152xf32, #tpu.memory_space<vmem>>
        %dma_wait3A_234 = tpu.memref_squeeze %dma_wait3A_233 : memref<1x4x8x1152xf32, #tpu.memory_space<vmem>> -> memref<4x8x1152xf32, #tpu.memory_space<vmem>>
        %dma_wait3A_235 = arith.constant 0 : i32
        %dma_wait3A_236 = arith.constant 0 : i32
        %dma_wait3A_237 = arith.constant 0 : i32
        %dma_wait3A_238 = tpu.memref_slice %arg2[%dma_wait3A_235, %dma_wait3A_236, %dma_wait3A_237] : memref<4x8x2600000xf32, #tpu.memory_space<hbm>> -> memref<4x8x1152xf32, #tpu.memory_space<hbm>>
        %dma_wait3A_239 = arith.constant 0 : i32
        %dma_wait3A_240 = arith.constant 0 : i32
        %dma_wait3A_241 = arith.constant 0 : i32
        %dma_wait3A_242 = tpu.memref_slice %arg15[%select_n3A_230, %dma_wait3A_239, %dma_wait3A_240, %dma_wait3A_241] : memref<2x4x8x1280xf32, #tpu.memory_space<vmem>> -> memref<1x4x8x1152xf32, #tpu.memory_space<vmem>>
        %dma_wait3A_243 = tpu.memref_squeeze %dma_wait3A_242 : memref<1x4x8x1152xf32, #tpu.memory_space<vmem>> -> memref<4x8x1152xf32, #tpu.memory_space<vmem>>
        %dma_wait3A_244 = arith.constant 0 : i32
        %dma_wait3A_245 = arith.constant 0 : i32
        %dma_wait3A_246 = arith.constant 0 : i32
        %dma_wait3A_247 = tpu.memref_slice %arg2[%dma_wait3A_244, %dma_wait3A_245, %dma_wait3A_246] : memref<4x8x2600000xf32, #tpu.memory_space<hbm>> -> memref<4x8x1152xf32, #tpu.memory_space<hbm>>
        tpu.wait_dma2 semaphore(%arg17 : memref<!tpu.dma_semaphore, #tpu.memory_space<semaphore_mem>>) src(%dma_wait3A_247 : memref<4x8x1152xf32, #tpu.memory_space<hbm>>) dst(%dma_wait3A_243 : memref<4x8x1152xf32, #tpu.memory_space<vmem>>)
        %add3A_248 = arith.constant 1 : i32
        %add3A_249 = arith.addi %while3A_216, %add3A_248 : i32
        %lt3A_250 = arith.cmpi slt, %add3A_249, %add3A_166 : i32
        %convert_element_type3A = arith.extui %lt3A_250 : i1 to i32
        %cond3A = arith.constant 0 : i32
        %cond3A_251 = arith.cmpi ne, %convert_element_type3A, %cond3A : i32
        scf.if %cond3A_251 {
          %add3A_320 = arith.constant 1 : i32
          %add3A_321 = arith.addi %while3A_216, %add3A_320 : i32
          %shift_right_arithmetic3A_322 = arith.constant 4 : i32
          %shift_right_arithmetic3A_323 = arith.shrsi %add3A_321, %shift_right_arithmetic3A_322 : i32
          %shift_left3A_324 = arith.constant 4 : i32
          %shift_left3A_325 = arith.shli %shift_right_arithmetic3A_323, %shift_left3A_324 : i32
          %get3A_326 = arith.index_cast %shift_left3A_325 : i32 to index
          %get3A_327 = tpu.vector_load %arg13[%get3A_326] {strides = array<i32>} : memref<160xi32, #tpu.memory_space<vmem>>, vector<16xi32>,
          %and3A_328 = arith.constant 15 : i32
          %and3A_329 = arith.andi %add3A_321, %and3A_328 : i32
          %eq3A_330 = vector.broadcast %and3A_329 : i32 to vector<16xi32>
          %eq3A_331 = arith.cmpi eq, %iota3A, %eq3A_330 : vector<16xi32>
          %jit3A_332 = arith.constant 0 : i32
          %broadcast_in_dim3A_333 = vector.broadcast %jit3A_332 : i32 to vector<16xi32>
          %select_n3A_334 = arith.select %eq3A_331, %get3A_327, %broadcast_in_dim3A_333 : vector<16xi1>, vector<16xi32>
          %reduce_sum3A_335 = arith.constant true
          %reduce_sum3A_336 = vector.broadcast %reduce_sum3A_335 : i1 to vector<16xi1>
          %reduce_sum3A_337 = tpu.scan <sum>, %select_n3A_334 masked %reduce_sum3A_336 : vector<16xi32>, vector<16xi1> -> vector<16xi32>
          %reduce_sum3A_338 = vector.extract %reduce_sum3A_337[15] : i32 from vector<16xi32>
          %mul3A_339 = arith.constant 1024 : i32
          %mul3A_340 = arith.muli %reduce_sum3A_338, %mul3A_339 : i32
          %add3A_341 = arith.addi %shift_left3A_29, %mul3A_340 : i32
          %min3A_342 = arith.constant 2598784 : i32
          %min3A_343 = arith.minsi %add3A_341, %min3A_342 : i32
          %multiple_of3A_344 = tpu.assume_multiple %min3A_343, 128 : i32
          %add3A_345 = arith.constant 1 : i32
          %add3A_346 = arith.addi %while3A_216, %add3A_345 : i32
          %jit3A_347 = arith.constant 2 : i32
          %eq3A_348 = arith.constant 0 : i32
          %eq3A_349 = arith.cmpi eq, %jit3A_347, %eq3A_348 : i32
          %jit3A_350 = arith.constant 1 : i32
          %select_n3A_351 = arith.select %eq3A_349, %jit3A_350, %jit3A_347 : i32
          %rem3A_352 = arith.remsi %add3A_346, %select_n3A_351 : i32
          %ne3A_353 = arith.constant 0 : i32
          %ne3A_354 = arith.cmpi ne, %rem3A_352, %ne3A_353 : i32
          %lt3A_355 = arith.constant 0 : i32
          %lt3A_356 = arith.cmpi slt, %rem3A_352, %lt3A_355 : i32
          %lt3A_357 = arith.constant 0 : i32
          %lt3A_358 = arith.cmpi slt, %select_n3A_351, %lt3A_357 : i32
          %ne3A_359 = arith.xori %lt3A_356, %lt3A_358 : i1
          %and3A_360 = arith.andi %ne3A_359, %ne3A_354 : i1
          %add3A_361 = arith.addi %rem3A_352, %select_n3A_351 : i32
          %select_n3A_362 = arith.select %and3A_360, %add3A_361, %rem3A_352 : i32
          %dma_start3A_363 = arith.constant 0 : i32
          %dma_start3A_364 = arith.constant 0 : i32
          %dma_start3A_365 = arith.constant 0 : i32
          %dma_start3A_366 = tpu.memref_slice %arg15[%select_n3A_362, %dma_start3A_363, %dma_start3A_364, %dma_start3A_365] : memref<2x4x8x1280xf32, #tpu.memory_space<vmem>> -> memref<1x4x8x1152xf32, #tpu.memory_space<vmem>>
          %dma_start3A_367 = tpu.memref_squeeze %dma_start3A_366 : memref<1x4x8x1152xf32, #tpu.memory_space<vmem>> -> memref<4x8x1152xf32, #tpu.memory_space<vmem>>
          %dma_start3A_368 = arith.constant 0 : i32
          %dma_start3A_369 = arith.constant 0 : i32
          %dma_start3A_370 = tpu.memref_slice %arg2[%dma_start3A_368, %dma_start3A_369, %multiple_of3A_344] : memref<4x8x2600000xf32, #tpu.memory_space<hbm>> -> memref<4x8x1152xf32, #tpu.memory_space<hbm>>
          %dma_start3A_371 = arith.constant 0 : i32
          %dma_start3A_372 = arith.constant 0 : i32
          %dma_start3A_373 = arith.constant 0 : i32
          %dma_start3A_374 = tpu.memref_slice %arg15[%select_n3A_362, %dma_start3A_371, %dma_start3A_372, %dma_start3A_373] : memref<2x4x8x1280xf32, #tpu.memory_space<vmem>> -> memref<1x4x8x1152xf32, #tpu.memory_space<vmem>>
          %dma_start3A_375 = tpu.memref_squeeze %dma_start3A_374 : memref<1x4x8x1152xf32, #tpu.memory_space<vmem>> -> memref<4x8x1152xf32, #tpu.memory_space<vmem>>
          %dma_start3A_376 = arith.constant 0 : i32
          %dma_start3A_377 = arith.constant 0 : i32
          %dma_start3A_378 = tpu.memref_slice %arg2[%dma_start3A_376, %dma_start3A_377, %multiple_of3A_344] : memref<4x8x2600000xf32, #tpu.memory_space<hbm>> -> memref<4x8x1152xf32, #tpu.memory_space<hbm>>
          tpu.enqueue_dma source(%dma_start3A_378 : memref<4x8x1152xf32, #tpu.memory_space<hbm>>) target(%dma_start3A_375 : memref<4x8x1152xf32, #tpu.memory_space<vmem>>) target_semaphore(%arg17 : memref<!tpu.dma_semaphore, #tpu.memory_space<semaphore_mem>>)
        } else {
        }
        %shift_right_arithmetic3A_252 = arith.constant 4 : i32
        %shift_right_arithmetic3A_253 = arith.shrsi %while3A_216, %shift_right_arithmetic3A_252 : i32
        %shift_left3A_254 = arith.constant 4 : i32
        %shift_left3A_255 = arith.shli %shift_right_arithmetic3A_253, %shift_left3A_254 : i32
        %get3A_256 = arith.index_cast %shift_left3A_255 : i32 to index
        %get3A_257 = tpu.vector_load %arg13[%get3A_256] {strides = array<i32>} : memref<160xi32, #tpu.memory_space<vmem>>, vector<16xi32>,
        %and3A_258 = arith.constant 15 : i32
        %and3A_259 = arith.andi %while3A_216, %and3A_258 : i32
        %eq3A_260 = vector.broadcast %and3A_259 : i32 to vector<16xi32>
        %eq3A_261 = arith.cmpi eq, %iota3A, %eq3A_260 : vector<16xi32>
        %jit3A_262 = arith.constant 0 : i32
        %broadcast_in_dim3A_263 = vector.broadcast %jit3A_262 : i32 to vector<16xi32>
        %select_n3A_264 = arith.select %eq3A_261, %get3A_257, %broadcast_in_dim3A_263 : vector<16xi1>, vector<16xi32>
        %reduce_sum3A_265 = arith.constant true
        %reduce_sum3A_266 = vector.broadcast %reduce_sum3A_265 : i1 to vector<16xi1>
        %reduce_sum3A_267 = tpu.scan <sum>, %select_n3A_264 masked %reduce_sum3A_266 : vector<16xi32>, vector<16xi1> -> vector<16xi32>
        %reduce_sum3A_268 = vector.extract %reduce_sum3A_267[15] : i32 from vector<16xi32>
        %mul3A_269 = arith.constant 1024 : i32
        %mul3A_270 = arith.muli %reduce_sum3A_268, %mul3A_269 : i32
        %add3A_271 = arith.addi %shift_left3A_29, %mul3A_270 : i32
        %min3A_272 = arith.constant 2598784 : i32
        %min3A_273 = arith.minsi %add3A_271, %min3A_272 : i32
        %multiple_of3A_274 = tpu.assume_multiple %min3A_273, 128 : i32
        %shift_right_arithmetic3A_275 = arith.constant 4 : i32
        %shift_right_arithmetic3A_276 = arith.shrsi %while3A_216, %shift_right_arithmetic3A_275 : i32
        %shift_left3A_277 = arith.constant 4 : i32
        %shift_left3A_278 = arith.shli %shift_right_arithmetic3A_276, %shift_left3A_277 : i32
        %get3A_279 = arith.index_cast %shift_left3A_278 : i32 to index
        %get3A_280 = tpu.vector_load %arg14[%get3A_279] {strides = array<i32>} : memref<160xi32, #tpu.memory_space<vmem>>, vector<16xi32>,
        %and3A_281 = arith.constant 15 : i32
        %and3A_282 = arith.andi %while3A_216, %and3A_281 : i32
        %eq3A_283 = vector.broadcast %and3A_282 : i32 to vector<16xi32>
        %eq3A_284 = arith.cmpi eq, %iota3A, %eq3A_283 : vector<16xi32>
        %jit3A_285 = arith.constant 0 : i32
        %broadcast_in_dim3A_286 = vector.broadcast %jit3A_285 : i32 to vector<16xi32>
        %select_n3A_287 = arith.select %eq3A_284, %get3A_280, %broadcast_in_dim3A_286 : vector<16xi1>, vector<16xi32>
        %reduce_sum3A_288 = arith.constant true
        %reduce_sum3A_289 = vector.broadcast %reduce_sum3A_288 : i1 to vector<16xi1>
        %reduce_sum3A_290 = tpu.scan <sum>, %select_n3A_287 masked %reduce_sum3A_289 : vector<16xi32>, vector<16xi1> -> vector<16xi32>
        %reduce_sum3A_291 = vector.extract %reduce_sum3A_290[15] : i32 from vector<16xi32>
        %add3A_292 = arith.constant 1 : i32
        %add3A_293 = arith.addi %while3A_216, %add3A_292 : i32
        %shift_right_arithmetic3A_294 = arith.constant 4 : i32
        %shift_right_arithmetic3A_295 = arith.shrsi %add3A_293, %shift_right_arithmetic3A_294 : i32
        %shift_left3A_296 = arith.constant 4 : i32
        %shift_left3A_297 = arith.shli %shift_right_arithmetic3A_295, %shift_left3A_296 : i32
        %get3A_298 = arith.index_cast %shift_left3A_297 : i32 to index
        %get3A_299 = tpu.vector_load %arg14[%get3A_298] {strides = array<i32>} : memref<160xi32, #tpu.memory_space<vmem>>, vector<16xi32>,
        %and3A_300 = arith.constant 15 : i32
        %and3A_301 = arith.andi %add3A_293, %and3A_300 : i32
        %eq3A_302 = vector.broadcast %and3A_301 : i32 to vector<16xi32>
        %eq3A_303 = arith.cmpi eq, %iota3A, %eq3A_302 : vector<16xi32>
        %jit3A_304 = arith.constant 0 : i32
        %broadcast_in_dim3A_305 = vector.broadcast %jit3A_304 : i32 to vector<16xi32>
        %select_n3A_306 = arith.select %eq3A_303, %get3A_299, %broadcast_in_dim3A_305 : vector<16xi1>, vector<16xi32>
        %reduce_sum3A_307 = arith.constant true
        %reduce_sum3A_308 = vector.broadcast %reduce_sum3A_307 : i1 to vector<16xi1>
        %reduce_sum3A_309 = tpu.scan <sum>, %select_n3A_306 masked %reduce_sum3A_308 : vector<16xi32>, vector<16xi1> -> vector<16xi32>
        %reduce_sum3A_310 = vector.extract %reduce_sum3A_309[15] : i32 from vector<16xi32>
        %while3A_311 = arith.constant 0 : i32
        %while3A_312 = arith.subi %reduce_sum3A_310, %reduce_sum3A_291 : i32
        %while3A_313 = arith.addi %reduce_sum3A_291, %while3A_312 : i32
        %while3A_314 = arith.constant 1 : i32
        %while3A_315 = arith.divsi %while3A_312, %while3A_314 : i32
        %while3A_316 = arith.muli %while3A_315, %while3A_314 : i32
        %while3A_317 = arith.addi %reduce_sum3A_291, %while3A_316 : i32
        %while3A_318 = arith.constant 1 : i32
        scf.for %while3A_320 = %reduce_sum3A_291 to %while3A_317 step %while3A_318  : i32 {
          %shift_right_arithmetic3A_321 = arith.constant 4 : i32
          %shift_right_arithmetic3A_322 = arith.shrsi %while3A_320, %shift_right_arithmetic3A_321 : i32
          %shift_left3A_323 = arith.constant 4 : i32
          %shift_left3A_324 = arith.shli %shift_right_arithmetic3A_322, %shift_left3A_323 : i32
          %get3A_325 = arith.index_cast %scan3A_15 : i32 to index
          %get3A_326 = arith.index_cast %shift_left3A_324 : i32 to index
          %get3A_327 = tpu.vector_load %arg8[%get3A_325, %get3A_326] {strides = array<i32>} : memref<26x128xi32, #tpu.memory_space<vmem>>, vector<16xi32>,
          %and3A_328 = arith.constant 15 : i32
          %and3A_329 = arith.andi %while3A_320, %and3A_328 : i32
          %eq3A_330 = vector.broadcast %and3A_329 : i32 to vector<16xi32>
          %eq3A_331 = arith.cmpi eq, %iota3A, %eq3A_330 : vector<16xi32>
          %jit3A_332 = arith.constant 0 : i32
          %broadcast_in_dim3A_333 = vector.broadcast %jit3A_332 : i32 to vector<16xi32>
          %select_n3A_334 = arith.select %eq3A_331, %get3A_327, %broadcast_in_dim3A_333 : vector<16xi1>, vector<16xi32>
          %reduce_sum3A_335 = arith.constant true
          %reduce_sum3A_336 = vector.broadcast %reduce_sum3A_335 : i1 to vector<16xi1>
          %reduce_sum3A_337 = tpu.scan <sum>, %select_n3A_334 masked %reduce_sum3A_336 : vector<16xi32>, vector<16xi1> -> vector<16xi32>
          %reduce_sum3A_338 = vector.extract %reduce_sum3A_337[15] : i32 from vector<16xi32>
          %add3A_339 = arith.addi %reduce_sum3A_338, %mul3A_17 : i32
          %mul3A_340 = arith.constant 0 : i32
          %mul3A_341 = vector.broadcast %mul3A_340 : i32 to vector<16xi32>
          %mul3A_342 = arith.muli %iota3A, %mul3A_341 : vector<16xi32>
          %sub3A = arith.subi %add3A_339, %multiple_of3A_274 : i32
          %add3A_343 = vector.broadcast %sub3A : i32 to vector<16xi32>
          %add3A_344 = arith.addi %mul3A_342, %add3A_343 : vector<16xi32>
          %jit3A_345 = arith.constant 2 : i32
          %eq3A_346 = arith.constant 0 : i32
          %eq3A_347 = arith.cmpi eq, %jit3A_345, %eq3A_346 : i32
          %jit3A_348 = arith.constant 1 : i32
          %select_n3A_349 = arith.select %eq3A_347, %jit3A_348, %jit3A_345 : i32
          %rem3A_350 = arith.remsi %while3A_216, %select_n3A_349 : i32
          %ne3A_351 = arith.constant 0 : i32
          %ne3A_352 = arith.cmpi ne, %rem3A_350, %ne3A_351 : i32
          %lt3A_353 = arith.constant 0 : i32
          %lt3A_354 = arith.cmpi slt, %rem3A_350, %lt3A_353 : i32
          %lt3A_355 = arith.constant 0 : i32
          %lt3A_356 = arith.cmpi slt, %select_n3A_349, %lt3A_355 : i32
          %ne3A_357 = arith.xori %lt3A_354, %lt3A_356 : i1
          %and3A_358 = arith.andi %ne3A_357, %ne3A_352 : i1
          %add3A_359 = arith.addi %rem3A_350, %select_n3A_349 : i32
          %select_n3A_360 = arith.select %and3A_358, %add3A_359, %rem3A_350 : i32
          %gather3A = arith.constant 0 : i32
          %gather3A_361 = arith.constant 0 : i32
          %gather3A_362 = arith.constant 0 : i32
          %gather3A_363 = tpu.memref_slice %arg15[%select_n3A_360, %gather3A, %gather3A_361, %gather3A_362] : memref<2x4x8x1280xf32, #tpu.memory_space<vmem>> -> memref<1x4x8x1280xf32, #tpu.memory_space<vmem>>
          %gather3A_364 = tpu.memref_squeeze %gather3A_363 : memref<1x4x8x1280xf32, #tpu.memory_space<vmem>> -> memref<4x8x1280xf32, #tpu.memory_space<vmem>>
          %gather3A_365 = tpu.vector_load_idx %gather3A_364[%shift_right_logical3A_4, %and3A_9, %add3A_344] : memref<4x8x1280xf32, #tpu.memory_space<vmem>>[vector<16xi32>, vector<16xi32>, vector<16xi32>], vector<16xf32>,
          %jit3A_366 = arith.constant 2 : i32
          %eq3A_367 = arith.constant 0 : i32
          %eq3A_368 = arith.cmpi eq, %jit3A_366, %eq3A_367 : i32
          %jit3A_369 = arith.constant 1 : i32
          %select_n3A_370 = arith.select %eq3A_368, %jit3A_369, %jit3A_366 : i32
          %rem3A_371 = arith.remsi %while3A_216, %select_n3A_370 : i32
          %ne3A_372 = arith.constant 0 : i32
          %ne3A_373 = arith.cmpi ne, %rem3A_371, %ne3A_372 : i32
          %lt3A_374 = arith.constant 0 : i32
          %lt3A_375 = arith.cmpi slt, %rem3A_371, %lt3A_374 : i32
          %lt3A_376 = arith.constant 0 : i32
          %lt3A_377 = arith.cmpi slt, %select_n3A_370, %lt3A_376 : i32
          %ne3A_378 = arith.xori %lt3A_375, %lt3A_377 : i1
          %and3A_379 = arith.andi %ne3A_378, %ne3A_373 : i1
          %add3A_380 = arith.addi %rem3A_371, %select_n3A_370 : i32
          %select_n3A_381 = arith.select %and3A_379, %add3A_380, %rem3A_371 : i32
          %gather3A_382 = arith.constant 0 : i32
          %gather3A_383 = arith.constant 0 : i32
          %gather3A_384 = arith.constant 0 : i32
          %gather3A_385 = tpu.memref_slice %arg15[%select_n3A_381, %gather3A_382, %gather3A_383, %gather3A_384] : memref<2x4x8x1280xf32, #tpu.memory_space<vmem>> -> memref<1x4x8x1280xf32, #tpu.memory_space<vmem>>
          %gather3A_386 = tpu.memref_squeeze %gather3A_385 : memref<1x4x8x1280xf32, #tpu.memory_space<vmem>> -> memref<4x8x1280xf32, #tpu.memory_space<vmem>>
          %gather3A_387 = tpu.vector_load_idx %gather3A_386[%add3A_7, %and3A_9, %add3A_344] : memref<4x8x1280xf32, #tpu.memory_space<vmem>>[vector<16xi32>, vector<16xi32>, vector<16xi32>], vector<16xf32>,
          %sub3A_388 = arith.constant 2599936 : i32
          %sub3A_389 = arith.subi %add3A_339, %sub3A_388 : i32
          %max3A = arith.constant 0 : i32
          %max3A_390 = arith.maxsi %sub3A_389, %max3A : i32
          %min3A_391 = arith.constant 63 : i32
          %min3A_392 = arith.minsi %max3A_390, %min3A_391 : i32
          %get3A_393 = arith.index_cast %min3A_392 : i32 to index
          %get3A_394 = arith.constant 0 : index
          %get3A_395 = tpu.vector_load %arg10[%get3A_393, %get3A_394] {strides = array<i32>} : memref<64x32xf32, #tpu.memory_space<vmem>>, vector<16xf32>,
          %get3A_396 = arith.index_cast %min3A_392 : i32 to index
          %get3A_397 = arith.constant 16 : index
          %get3A_398 = tpu.vector_load %arg10[%get3A_396, %get3A_397] {strides = array<i32>} : memref<64x32xf32, #tpu.memory_space<vmem>>, vector<16xf32>,
          %mul3A_399 = arith.constant 0 : i32
          %mul3A_400 = vector.broadcast %mul3A_399 : i32 to vector<16xi32>
          %mul3A_401 = arith.muli %iota3A, %mul3A_400 : vector<16xi32>
          %ge3A = arith.constant 2599936 : i32
          %ge3A_402 = arith.cmpi sge, %add3A_339, %ge3A : i32
          %jit3A_403 = arith.constant 1 : i32
          %jit3A_404 = arith.constant 0 : i32
          %select_n3A_405 = arith.select %ge3A_402, %jit3A_403, %jit3A_404 : i32
          %add3A_406 = vector.broadcast %select_n3A_405 : i32 to vector<16xi32>
          %add3A_407 = arith.addi %mul3A_401, %add3A_406 : vector<16xi32>
          %eq3A_408 = arith.constant 1 : i32
          %eq3A_409 = vector.broadcast %eq3A_408 : i32 to vector<16xi32>
          %eq3A_410 = arith.cmpi eq, %add3A_407, %eq3A_409 : vector<16xi32>
          %select_n3A_411 = arith.select %eq3A_410, %get3A_395, %gather3A_365 : vector<16xi1>, vector<16xf32>
          %eq3A_412 = arith.constant 1 : i32
          %eq3A_413 = vector.broadcast %eq3A_412 : i32 to vector<16xi32>
          %eq3A_414 = arith.cmpi eq, %add3A_407, %eq3A_413 : vector<16xi32>
          %select_n3A_415 = arith.select %eq3A_414, %get3A_398, %gather3A_387 : vector<16xi1>, vector<16xf32>
          %shift_right_arithmetic3A_416 = arith.constant 2 : i32
          %shift_right_arithmetic3A_417 = arith.shrsi %while3A_320, %shift_right_arithmetic3A_416 : i32
          %and3A_418 = arith.constant 3 : i32
          %and3A_419 = arith.andi %while3A_320, %and3A_418 : i32
          %mul3A_420 = arith.constant 32 : i32
          %mul3A_421 = arith.muli %and3A_419, %mul3A_420 : i32
          %swap3A_422 = arith.index_cast %shift_right_arithmetic3A_417 : i32 to index
          %swap3A_423 = arith.index_cast %mul3A_421 : i32 to index
          %swap3A_424 = tpu.vector_load %arg16[%swap3A_422, %swap3A_423] {strides = array<i32>} : memref<32x128xf32, #tpu.memory_space<vmem>>, vector<16xf32>,
          tpu.vector_store %arg16[%swap3A_422, %swap3A_423], %select_n3A_411 {strides = array<i32>} : memref<32x128xf32, #tpu.memory_space<vmem>>, vector<16xf32>,
          %add3A_425 = arith.constant 16 : i32
          %add3A_426 = arith.addi %mul3A_421, %add3A_425 : i32
          %swap3A_427 = arith.index_cast %shift_right_arithmetic3A_417 : i32 to index
          %swap3A_428 = arith.index_cast %add3A_426 : i32 to index
          %swap3A_429 = tpu.vector_load %arg16[%swap3A_427, %swap3A_428] {strides = array<i32>} : memref<32x128xf32, #tpu.memory_space<vmem>>, vector<16xf32>,
          tpu.vector_store %arg16[%swap3A_427, %swap3A_428], %select_n3A_415 {strides = array<i32>} : memref<32x128xf32, #tpu.memory_space<vmem>>, vector<16xf32>,
        }
        %while3A_319 = arith.constant 1 : i32
        scf.for %while3A_320 = %while3A_317 to %while3A_313 step %while3A_319  : i32 {
          %shift_right_arithmetic3A_321 = arith.constant 4 : i32
          %shift_right_arithmetic3A_322 = arith.shrsi %while3A_320, %shift_right_arithmetic3A_321 : i32
          %shift_left3A_323 = arith.constant 4 : i32
          %shift_left3A_324 = arith.shli %shift_right_arithmetic3A_322, %shift_left3A_323 : i32
          %get3A_325 = arith.index_cast %scan3A_15 : i32 to index
          %get3A_326 = arith.index_cast %shift_left3A_324 : i32 to index
          %get3A_327 = tpu.vector_load %arg8[%get3A_325, %get3A_326] {strides = array<i32>} : memref<26x128xi32, #tpu.memory_space<vmem>>, vector<16xi32>,
          %and3A_328 = arith.constant 15 : i32
          %and3A_329 = arith.andi %while3A_320, %and3A_328 : i32
          %eq3A_330 = vector.broadcast %and3A_329 : i32 to vector<16xi32>
          %eq3A_331 = arith.cmpi eq, %iota3A, %eq3A_330 : vector<16xi32>
          %jit3A_332 = arith.constant 0 : i32
          %broadcast_in_dim3A_333 = vector.broadcast %jit3A_332 : i32 to vector<16xi32>
          %select_n3A_334 = arith.select %eq3A_331, %get3A_327, %broadcast_in_dim3A_333 : vector<16xi1>, vector<16xi32>
          %reduce_sum3A_335 = arith.constant true
          %reduce_sum3A_336 = vector.broadcast %reduce_sum3A_335 : i1 to vector<16xi1>
          %reduce_sum3A_337 = tpu.scan <sum>, %select_n3A_334 masked %reduce_sum3A_336 : vector<16xi32>, vector<16xi1> -> vector<16xi32>
          %reduce_sum3A_338 = vector.extract %reduce_sum3A_337[15] : i32 from vector<16xi32>
          %add3A_339 = arith.addi %reduce_sum3A_338, %mul3A_17 : i32
          %mul3A_340 = arith.constant 0 : i32
          %mul3A_341 = vector.broadcast %mul3A_340 : i32 to vector<16xi32>
          %mul3A_342 = arith.muli %iota3A, %mul3A_341 : vector<16xi32>
          %sub3A = arith.subi %add3A_339, %multiple_of3A_274 : i32
          %add3A_343 = vector.broadcast %sub3A : i32 to vector<16xi32>
          %add3A_344 = arith.addi %mul3A_342, %add3A_343 : vector<16xi32>
          %jit3A_345 = arith.constant 2 : i32
          %eq3A_346 = arith.constant 0 : i32
          %eq3A_347 = arith.cmpi eq, %jit3A_345, %eq3A_346 : i32
          %jit3A_348 = arith.constant 1 : i32
          %select_n3A_349 = arith.select %eq3A_347, %jit3A_348, %jit3A_345 : i32
          %rem3A_350 = arith.remsi %while3A_216, %select_n3A_349 : i32
          %ne3A_351 = arith.constant 0 : i32
          %ne3A_352 = arith.cmpi ne, %rem3A_350, %ne3A_351 : i32
          %lt3A_353 = arith.constant 0 : i32
          %lt3A_354 = arith.cmpi slt, %rem3A_350, %lt3A_353 : i32
          %lt3A_355 = arith.constant 0 : i32
          %lt3A_356 = arith.cmpi slt, %select_n3A_349, %lt3A_355 : i32
          %ne3A_357 = arith.xori %lt3A_354, %lt3A_356 : i1
          %and3A_358 = arith.andi %ne3A_357, %ne3A_352 : i1
          %add3A_359 = arith.addi %rem3A_350, %select_n3A_349 : i32
          %select_n3A_360 = arith.select %and3A_358, %add3A_359, %rem3A_350 : i32
          %gather3A = arith.constant 0 : i32
          %gather3A_361 = arith.constant 0 : i32
          %gather3A_362 = arith.constant 0 : i32
          %gather3A_363 = tpu.memref_slice %arg15[%select_n3A_360, %gather3A, %gather3A_361, %gather3A_362] : memref<2x4x8x1280xf32, #tpu.memory_space<vmem>> -> memref<1x4x8x1280xf32, #tpu.memory_space<vmem>>
          %gather3A_364 = tpu.memref_squeeze %gather3A_363 : memref<1x4x8x1280xf32, #tpu.memory_space<vmem>> -> memref<4x8x1280xf32, #tpu.memory_space<vmem>>
          %gather3A_365 = tpu.vector_load_idx %gather3A_364[%shift_right_logical3A_4, %and3A_9, %add3A_344] : memref<4x8x1280xf32, #tpu.memory_space<vmem>>[vector<16xi32>, vector<16xi32>, vector<16xi32>], vector<16xf32>,
          %jit3A_366 = arith.constant 2 : i32
          %eq3A_367 = arith.constant 0 : i32
          %eq3A_368 = arith.cmpi eq, %jit3A_366, %eq3A_367 : i32
          %jit3A_369 = arith.constant 1 : i32
          %select_n3A_370 = arith.select %eq3A_368, %jit3A_369, %jit3A_366 : i32
          %rem3A_371 = arith.remsi %while3A_216, %select_n3A_370 : i32
          %ne3A_372 = arith.constant 0 : i32
          %ne3A_373 = arith.cmpi ne, %rem3A_371, %ne3A_372 : i32
          %lt3A_374 = arith.constant 0 : i32
          %lt3A_375 = arith.cmpi slt, %rem3A_371, %lt3A_374 : i32
          %lt3A_376 = arith.constant 0 : i32
          %lt3A_377 = arith.cmpi slt, %select_n3A_370, %lt3A_376 : i32
          %ne3A_378 = arith.xori %lt3A_375, %lt3A_377 : i1
          %and3A_379 = arith.andi %ne3A_378, %ne3A_373 : i1
          %add3A_380 = arith.addi %rem3A_371, %select_n3A_370 : i32
          %select_n3A_381 = arith.select %and3A_379, %add3A_380, %rem3A_371 : i32
          %gather3A_382 = arith.constant 0 : i32
          %gather3A_383 = arith.constant 0 : i32
          %gather3A_384 = arith.constant 0 : i32
          %gather3A_385 = tpu.memref_slice %arg15[%select_n3A_381, %gather3A_382, %gather3A_383, %gather3A_384] : memref<2x4x8x1280xf32, #tpu.memory_space<vmem>> -> memref<1x4x8x1280xf32, #tpu.memory_space<vmem>>
          %gather3A_386 = tpu.memref_squeeze %gather3A_385 : memref<1x4x8x1280xf32, #tpu.memory_space<vmem>> -> memref<4x8x1280xf32, #tpu.memory_space<vmem>>
          %gather3A_387 = tpu.vector_load_idx %gather3A_386[%add3A_7, %and3A_9, %add3A_344] : memref<4x8x1280xf32, #tpu.memory_space<vmem>>[vector<16xi32>, vector<16xi32>, vector<16xi32>], vector<16xf32>,
          %sub3A_388 = arith.constant 2599936 : i32
          %sub3A_389 = arith.subi %add3A_339, %sub3A_388 : i32
          %max3A = arith.constant 0 : i32
          %max3A_390 = arith.maxsi %sub3A_389, %max3A : i32
          %min3A_391 = arith.constant 63 : i32
          %min3A_392 = arith.minsi %max3A_390, %min3A_391 : i32
          %get3A_393 = arith.index_cast %min3A_392 : i32 to index
          %get3A_394 = arith.constant 0 : index
          %get3A_395 = tpu.vector_load %arg10[%get3A_393, %get3A_394] {strides = array<i32>} : memref<64x32xf32, #tpu.memory_space<vmem>>, vector<16xf32>,
          %get3A_396 = arith.index_cast %min3A_392 : i32 to index
          %get3A_397 = arith.constant 16 : index
          %get3A_398 = tpu.vector_load %arg10[%get3A_396, %get3A_397] {strides = array<i32>} : memref<64x32xf32, #tpu.memory_space<vmem>>, vector<16xf32>,
          %mul3A_399 = arith.constant 0 : i32
          %mul3A_400 = vector.broadcast %mul3A_399 : i32 to vector<16xi32>
          %mul3A_401 = arith.muli %iota3A, %mul3A_400 : vector<16xi32>
          %ge3A = arith.constant 2599936 : i32
          %ge3A_402 = arith.cmpi sge, %add3A_339, %ge3A : i32
          %jit3A_403 = arith.constant 1 : i32
          %jit3A_404 = arith.constant 0 : i32
          %select_n3A_405 = arith.select %ge3A_402, %jit3A_403, %jit3A_404 : i32
          %add3A_406 = vector.broadcast %select_n3A_405 : i32 to vector<16xi32>
          %add3A_407 = arith.addi %mul3A_401, %add3A_406 : vector<16xi32>
          %eq3A_408 = arith.constant 1 : i32
          %eq3A_409 = vector.broadcast %eq3A_408 : i32 to vector<16xi32>
          %eq3A_410 = arith.cmpi eq, %add3A_407, %eq3A_409 : vector<16xi32>
          %select_n3A_411 = arith.select %eq3A_410, %get3A_395, %gather3A_365 : vector<16xi1>, vector<16xf32>
          %eq3A_412 = arith.constant 1 : i32
          %eq3A_413 = vector.broadcast %eq3A_412 : i32 to vector<16xi32>
          %eq3A_414 = arith.cmpi eq, %add3A_407, %eq3A_413 : vector<16xi32>
          %select_n3A_415 = arith.select %eq3A_414, %get3A_398, %gather3A_387 : vector<16xi1>, vector<16xf32>
          %shift_right_arithmetic3A_416 = arith.constant 2 : i32
          %shift_right_arithmetic3A_417 = arith.shrsi %while3A_320, %shift_right_arithmetic3A_416 : i32
          %and3A_418 = arith.constant 3 : i32
          %and3A_419 = arith.andi %while3A_320, %and3A_418 : i32
          %mul3A_420 = arith.constant 32 : i32
          %mul3A_421 = arith.muli %and3A_419, %mul3A_420 : i32
          %swap3A_422 = arith.index_cast %shift_right_arithmetic3A_417 : i32 to index
          %swap3A_423 = arith.index_cast %mul3A_421 : i32 to index
          %swap3A_424 = tpu.vector_load %arg16[%swap3A_422, %swap3A_423] {strides = array<i32>} : memref<32x128xf32, #tpu.memory_space<vmem>>, vector<16xf32>,
          tpu.vector_store %arg16[%swap3A_422, %swap3A_423], %select_n3A_411 {strides = array<i32>} : memref<32x128xf32, #tpu.memory_space<vmem>>, vector<16xf32>,
          %add3A_425 = arith.constant 16 : i32
          %add3A_426 = arith.addi %mul3A_421, %add3A_425 : i32
          %swap3A_427 = arith.index_cast %shift_right_arithmetic3A_417 : i32 to index
          %swap3A_428 = arith.index_cast %add3A_426 : i32 to index
          %swap3A_429 = tpu.vector_load %arg16[%swap3A_427, %swap3A_428] {strides = array<i32>} : memref<32x128xf32, #tpu.memory_space<vmem>>, vector<16xf32>,
          tpu.vector_store %arg16[%swap3A_427, %swap3A_428], %select_n3A_415 {strides = array<i32>} : memref<32x128xf32, #tpu.memory_space<vmem>>, vector<16xf32>,
        }
      }
      %while3A_213 = arith.constant 1 : i32
      scf.for %while3A_216 = %while3A_211 to %while3A_207 step %while3A_213  : i32 {
        %jit3A_217 = arith.constant 2 : i32
        %eq3A_218 = arith.constant 0 : i32
        %eq3A_219 = arith.cmpi eq, %jit3A_217, %eq3A_218 : i32
        %jit3A_220 = arith.constant 1 : i32
        %select_n3A_221 = arith.select %eq3A_219, %jit3A_220, %jit3A_217 : i32
        %rem3A = arith.remsi %while3A_216, %select_n3A_221 : i32
        %ne3A_222 = arith.constant 0 : i32
        %ne3A_223 = arith.cmpi ne, %rem3A, %ne3A_222 : i32
        %lt3A = arith.constant 0 : i32
        %lt3A_224 = arith.cmpi slt, %rem3A, %lt3A : i32
        %lt3A_225 = arith.constant 0 : i32
        %lt3A_226 = arith.cmpi slt, %select_n3A_221, %lt3A_225 : i32
        %ne3A_227 = arith.xori %lt3A_224, %lt3A_226 : i1
        %and3A_228 = arith.andi %ne3A_227, %ne3A_223 : i1
        %add3A_229 = arith.addi %rem3A, %select_n3A_221 : i32
        %select_n3A_230 = arith.select %and3A_228, %add3A_229, %rem3A : i32
        %dma_wait3A = arith.constant 0 : i32
        %dma_wait3A_231 = arith.constant 0 : i32
        %dma_wait3A_232 = arith.constant 0 : i32
        %dma_wait3A_233 = tpu.memref_slice %arg15[%select_n3A_230, %dma_wait3A, %dma_wait3A_231, %dma_wait3A_232] : memref<2x4x8x1280xf32, #tpu.memory_space<vmem>> -> memref<1x4x8x1152xf32, #tpu.memory_space<vmem>>
        %dma_wait3A_234 = tpu.memref_squeeze %dma_wait3A_233 : memref<1x4x8x1152xf32, #tpu.memory_space<vmem>> -> memref<4x8x1152xf32, #tpu.memory_space<vmem>>
        %dma_wait3A_235 = arith.constant 0 : i32
        %dma_wait3A_236 = arith.constant 0 : i32
        %dma_wait3A_237 = arith.constant 0 : i32
        %dma_wait3A_238 = tpu.memref_slice %arg2[%dma_wait3A_235, %dma_wait3A_236, %dma_wait3A_237] : memref<4x8x2600000xf32, #tpu.memory_space<hbm>> -> memref<4x8x1152xf32, #tpu.memory_space<hbm>>
        %dma_wait3A_239 = arith.constant 0 : i32
        %dma_wait3A_240 = arith.constant 0 : i32
        %dma_wait3A_241 = arith.constant 0 : i32
        %dma_wait3A_242 = tpu.memref_slice %arg15[%select_n3A_230, %dma_wait3A_239, %dma_wait3A_240, %dma_wait3A_241] : memref<2x4x8x1280xf32, #tpu.memory_space<vmem>> -> memref<1x4x8x1152xf32, #tpu.memory_space<vmem>>
        %dma_wait3A_243 = tpu.memref_squeeze %dma_wait3A_242 : memref<1x4x8x1152xf32, #tpu.memory_space<vmem>> -> memref<4x8x1152xf32, #tpu.memory_space<vmem>>
        %dma_wait3A_244 = arith.constant 0 : i32
        %dma_wait3A_245 = arith.constant 0 : i32
        %dma_wait3A_246 = arith.constant 0 : i32
        %dma_wait3A_247 = tpu.memref_slice %arg2[%dma_wait3A_244, %dma_wait3A_245, %dma_wait3A_246] : memref<4x8x2600000xf32, #tpu.memory_space<hbm>> -> memref<4x8x1152xf32, #tpu.memory_space<hbm>>
        tpu.wait_dma2 semaphore(%arg17 : memref<!tpu.dma_semaphore, #tpu.memory_space<semaphore_mem>>) src(%dma_wait3A_247 : memref<4x8x1152xf32, #tpu.memory_space<hbm>>) dst(%dma_wait3A_243 : memref<4x8x1152xf32, #tpu.memory_space<vmem>>)
        %add3A_248 = arith.constant 1 : i32
        %add3A_249 = arith.addi %while3A_216, %add3A_248 : i32
        %lt3A_250 = arith.cmpi slt, %add3A_249, %add3A_166 : i32
        %convert_element_type3A = arith.extui %lt3A_250 : i1 to i32
        %cond3A = arith.constant 0 : i32
        %cond3A_251 = arith.cmpi ne, %convert_element_type3A, %cond3A : i32
        scf.if %cond3A_251 {
          %add3A_320 = arith.constant 1 : i32
          %add3A_321 = arith.addi %while3A_216, %add3A_320 : i32
          %shift_right_arithmetic3A_322 = arith.constant 4 : i32
          %shift_right_arithmetic3A_323 = arith.shrsi %add3A_321, %shift_right_arithmetic3A_322 : i32
          %shift_left3A_324 = arith.constant 4 : i32
          %shift_left3A_325 = arith.shli %shift_right_arithmetic3A_323, %shift_left3A_324 : i32
          %get3A_326 = arith.index_cast %shift_left3A_325 : i32 to index
          %get3A_327 = tpu.vector_load %arg13[%get3A_326] {strides = array<i32>} : memref<160xi32, #tpu.memory_space<vmem>>, vector<16xi32>,
          %and3A_328 = arith.constant 15 : i32
          %and3A_329 = arith.andi %add3A_321, %and3A_328 : i32
          %eq3A_330 = vector.broadcast %and3A_329 : i32 to vector<16xi32>
          %eq3A_331 = arith.cmpi eq, %iota3A, %eq3A_330 : vector<16xi32>
          %jit3A_332 = arith.constant 0 : i32
          %broadcast_in_dim3A_333 = vector.broadcast %jit3A_332 : i32 to vector<16xi32>
          %select_n3A_334 = arith.select %eq3A_331, %get3A_327, %broadcast_in_dim3A_333 : vector<16xi1>, vector<16xi32>
          %reduce_sum3A_335 = arith.constant true
          %reduce_sum3A_336 = vector.broadcast %reduce_sum3A_335 : i1 to vector<16xi1>
          %reduce_sum3A_337 = tpu.scan <sum>, %select_n3A_334 masked %reduce_sum3A_336 : vector<16xi32>, vector<16xi1> -> vector<16xi32>
          %reduce_sum3A_338 = vector.extract %reduce_sum3A_337[15] : i32 from vector<16xi32>
          %mul3A_339 = arith.constant 1024 : i32
          %mul3A_340 = arith.muli %reduce_sum3A_338, %mul3A_339 : i32
          %add3A_341 = arith.addi %shift_left3A_29, %mul3A_340 : i32
          %min3A_342 = arith.constant 2598784 : i32
          %min3A_343 = arith.minsi %add3A_341, %min3A_342 : i32
          %multiple_of3A_344 = tpu.assume_multiple %min3A_343, 128 : i32
          %add3A_345 = arith.constant 1 : i32
          %add3A_346 = arith.addi %while3A_216, %add3A_345 : i32
          %jit3A_347 = arith.constant 2 : i32
          %eq3A_348 = arith.constant 0 : i32
          %eq3A_349 = arith.cmpi eq, %jit3A_347, %eq3A_348 : i32
          %jit3A_350 = arith.constant 1 : i32
          %select_n3A_351 = arith.select %eq3A_349, %jit3A_350, %jit3A_347 : i32
          %rem3A_352 = arith.remsi %add3A_346, %select_n3A_351 : i32
          %ne3A_353 = arith.constant 0 : i32
          %ne3A_354 = arith.cmpi ne, %rem3A_352, %ne3A_353 : i32
          %lt3A_355 = arith.constant 0 : i32
          %lt3A_356 = arith.cmpi slt, %rem3A_352, %lt3A_355 : i32
          %lt3A_357 = arith.constant 0 : i32
          %lt3A_358 = arith.cmpi slt, %select_n3A_351, %lt3A_357 : i32
          %ne3A_359 = arith.xori %lt3A_356, %lt3A_358 : i1
          %and3A_360 = arith.andi %ne3A_359, %ne3A_354 : i1
          %add3A_361 = arith.addi %rem3A_352, %select_n3A_351 : i32
          %select_n3A_362 = arith.select %and3A_360, %add3A_361, %rem3A_352 : i32
          %dma_start3A_363 = arith.constant 0 : i32
          %dma_start3A_364 = arith.constant 0 : i32
          %dma_start3A_365 = arith.constant 0 : i32
          %dma_start3A_366 = tpu.memref_slice %arg15[%select_n3A_362, %dma_start3A_363, %dma_start3A_364, %dma_start3A_365] : memref<2x4x8x1280xf32, #tpu.memory_space<vmem>> -> memref<1x4x8x1152xf32, #tpu.memory_space<vmem>>
          %dma_start3A_367 = tpu.memref_squeeze %dma_start3A_366 : memref<1x4x8x1152xf32, #tpu.memory_space<vmem>> -> memref<4x8x1152xf32, #tpu.memory_space<vmem>>
          %dma_start3A_368 = arith.constant 0 : i32
          %dma_start3A_369 = arith.constant 0 : i32
          %dma_start3A_370 = tpu.memref_slice %arg2[%dma_start3A_368, %dma_start3A_369, %multiple_of3A_344] : memref<4x8x2600000xf32, #tpu.memory_space<hbm>> -> memref<4x8x1152xf32, #tpu.memory_space<hbm>>
          %dma_start3A_371 = arith.constant 0 : i32
          %dma_start3A_372 = arith.constant 0 : i32
          %dma_start3A_373 = arith.constant 0 : i32
          %dma_start3A_374 = tpu.memref_slice %arg15[%select_n3A_362, %dma_start3A_371, %dma_start3A_372, %dma_start3A_373] : memref<2x4x8x1280xf32, #tpu.memory_space<vmem>> -> memref<1x4x8x1152xf32, #tpu.memory_space<vmem>>
          %dma_start3A_375 = tpu.memref_squeeze %dma_start3A_374 : memref<1x4x8x1152xf32, #tpu.memory_space<vmem>> -> memref<4x8x1152xf32, #tpu.memory_space<vmem>>
          %dma_start3A_376 = arith.constant 0 : i32
          %dma_start3A_377 = arith.constant 0 : i32
          %dma_start3A_378 = tpu.memref_slice %arg2[%dma_start3A_376, %dma_start3A_377, %multiple_of3A_344] : memref<4x8x2600000xf32, #tpu.memory_space<hbm>> -> memref<4x8x1152xf32, #tpu.memory_space<hbm>>
          tpu.enqueue_dma source(%dma_start3A_378 : memref<4x8x1152xf32, #tpu.memory_space<hbm>>) target(%dma_start3A_375 : memref<4x8x1152xf32, #tpu.memory_space<vmem>>) target_semaphore(%arg17 : memref<!tpu.dma_semaphore, #tpu.memory_space<semaphore_mem>>)
        } else {
        }
        %shift_right_arithmetic3A_252 = arith.constant 4 : i32
        %shift_right_arithmetic3A_253 = arith.shrsi %while3A_216, %shift_right_arithmetic3A_252 : i32
        %shift_left3A_254 = arith.constant 4 : i32
        %shift_left3A_255 = arith.shli %shift_right_arithmetic3A_253, %shift_left3A_254 : i32
        %get3A_256 = arith.index_cast %shift_left3A_255 : i32 to index
        %get3A_257 = tpu.vector_load %arg13[%get3A_256] {strides = array<i32>} : memref<160xi32, #tpu.memory_space<vmem>>, vector<16xi32>,
        %and3A_258 = arith.constant 15 : i32
        %and3A_259 = arith.andi %while3A_216, %and3A_258 : i32
        %eq3A_260 = vector.broadcast %and3A_259 : i32 to vector<16xi32>
        %eq3A_261 = arith.cmpi eq, %iota3A, %eq3A_260 : vector<16xi32>
        %jit3A_262 = arith.constant 0 : i32
        %broadcast_in_dim3A_263 = vector.broadcast %jit3A_262 : i32 to vector<16xi32>
        %select_n3A_264 = arith.select %eq3A_261, %get3A_257, %broadcast_in_dim3A_263 : vector<16xi1>, vector<16xi32>
        %reduce_sum3A_265 = arith.constant true
        %reduce_sum3A_266 = vector.broadcast %reduce_sum3A_265 : i1 to vector<16xi1>
        %reduce_sum3A_267 = tpu.scan <sum>, %select_n3A_264 masked %reduce_sum3A_266 : vector<16xi32>, vector<16xi1> -> vector<16xi32>
        %reduce_sum3A_268 = vector.extract %reduce_sum3A_267[15] : i32 from vector<16xi32>
        %mul3A_269 = arith.constant 1024 : i32
        %mul3A_270 = arith.muli %reduce_sum3A_268, %mul3A_269 : i32
        %add3A_271 = arith.addi %shift_left3A_29, %mul3A_270 : i32
        %min3A_272 = arith.constant 2598784 : i32
        %min3A_273 = arith.minsi %add3A_271, %min3A_272 : i32
        %multiple_of3A_274 = tpu.assume_multiple %min3A_273, 128 : i32
        %shift_right_arithmetic3A_275 = arith.constant 4 : i32
        %shift_right_arithmetic3A_276 = arith.shrsi %while3A_216, %shift_right_arithmetic3A_275 : i32
        %shift_left3A_277 = arith.constant 4 : i32
        %shift_left3A_278 = arith.shli %shift_right_arithmetic3A_276, %shift_left3A_277 : i32
        %get3A_279 = arith.index_cast %shift_left3A_278 : i32 to index
        %get3A_280 = tpu.vector_load %arg14[%get3A_279] {strides = array<i32>} : memref<160xi32, #tpu.memory_space<vmem>>, vector<16xi32>,
        %and3A_281 = arith.constant 15 : i32
        %and3A_282 = arith.andi %while3A_216, %and3A_281 : i32
        %eq3A_283 = vector.broadcast %and3A_282 : i32 to vector<16xi32>
        %eq3A_284 = arith.cmpi eq, %iota3A, %eq3A_283 : vector<16xi32>
        %jit3A_285 = arith.constant 0 : i32
        %broadcast_in_dim3A_286 = vector.broadcast %jit3A_285 : i32 to vector<16xi32>
        %select_n3A_287 = arith.select %eq3A_284, %get3A_280, %broadcast_in_dim3A_286 : vector<16xi1>, vector<16xi32>
        %reduce_sum3A_288 = arith.constant true
        %reduce_sum3A_289 = vector.broadcast %reduce_sum3A_288 : i1 to vector<16xi1>
        %reduce_sum3A_290 = tpu.scan <sum>, %select_n3A_287 masked %reduce_sum3A_289 : vector<16xi32>, vector<16xi1> -> vector<16xi32>
        %reduce_sum3A_291 = vector.extract %reduce_sum3A_290[15] : i32 from vector<16xi32>
        %add3A_292 = arith.constant 1 : i32
        %add3A_293 = arith.addi %while3A_216, %add3A_292 : i32
        %shift_right_arithmetic3A_294 = arith.constant 4 : i32
        %shift_right_arithmetic3A_295 = arith.shrsi %add3A_293, %shift_right_arithmetic3A_294 : i32
        %shift_left3A_296 = arith.constant 4 : i32
        %shift_left3A_297 = arith.shli %shift_right_arithmetic3A_295, %shift_left3A_296 : i32
        %get3A_298 = arith.index_cast %shift_left3A_297 : i32 to index
        %get3A_299 = tpu.vector_load %arg14[%get3A_298] {strides = array<i32>} : memref<160xi32, #tpu.memory_space<vmem>>, vector<16xi32>,
        %and3A_300 = arith.constant 15 : i32
        %and3A_301 = arith.andi %add3A_293, %and3A_300 : i32
        %eq3A_302 = vector.broadcast %and3A_301 : i32 to vector<16xi32>
        %eq3A_303 = arith.cmpi eq, %iota3A, %eq3A_302 : vector<16xi32>
        %jit3A_304 = arith.constant 0 : i32
        %broadcast_in_dim3A_305 = vector.broadcast %jit3A_304 : i32 to vector<16xi32>
        %select_n3A_306 = arith.select %eq3A_303, %get3A_299, %broadcast_in_dim3A_305 : vector<16xi1>, vector<16xi32>
        %reduce_sum3A_307 = arith.constant true
        %reduce_sum3A_308 = vector.broadcast %reduce_sum3A_307 : i1 to vector<16xi1>
        %reduce_sum3A_309 = tpu.scan <sum>, %select_n3A_306 masked %reduce_sum3A_308 : vector<16xi32>, vector<16xi1> -> vector<16xi32>
        %reduce_sum3A_310 = vector.extract %reduce_sum3A_309[15] : i32 from vector<16xi32>
        %while3A_311 = arith.constant 0 : i32
        %while3A_312 = arith.subi %reduce_sum3A_310, %reduce_sum3A_291 : i32
        %while3A_313 = arith.addi %reduce_sum3A_291, %while3A_312 : i32
        %while3A_314 = arith.constant 1 : i32
        %while3A_315 = arith.divsi %while3A_312, %while3A_314 : i32
        %while3A_316 = arith.muli %while3A_315, %while3A_314 : i32
        %while3A_317 = arith.addi %reduce_sum3A_291, %while3A_316 : i32
        %while3A_318 = arith.constant 1 : i32
        scf.for %while3A_320 = %reduce_sum3A_291 to %while3A_317 step %while3A_318  : i32 {
          %shift_right_arithmetic3A_321 = arith.constant 4 : i32
          %shift_right_arithmetic3A_322 = arith.shrsi %while3A_320, %shift_right_arithmetic3A_321 : i32
          %shift_left3A_323 = arith.constant 4 : i32
          %shift_left3A_324 = arith.shli %shift_right_arithmetic3A_322, %shift_left3A_323 : i32
          %get3A_325 = arith.index_cast %scan3A_15 : i32 to index
          %get3A_326 = arith.index_cast %shift_left3A_324 : i32 to index
          %get3A_327 = tpu.vector_load %arg8[%get3A_325, %get3A_326] {strides = array<i32>} : memref<26x128xi32, #tpu.memory_space<vmem>>, vector<16xi32>,
          %and3A_328 = arith.constant 15 : i32
          %and3A_329 = arith.andi %while3A_320, %and3A_328 : i32
          %eq3A_330 = vector.broadcast %and3A_329 : i32 to vector<16xi32>
          %eq3A_331 = arith.cmpi eq, %iota3A, %eq3A_330 : vector<16xi32>
          %jit3A_332 = arith.constant 0 : i32
          %broadcast_in_dim3A_333 = vector.broadcast %jit3A_332 : i32 to vector<16xi32>
          %select_n3A_334 = arith.select %eq3A_331, %get3A_327, %broadcast_in_dim3A_333 : vector<16xi1>, vector<16xi32>
          %reduce_sum3A_335 = arith.constant true
          %reduce_sum3A_336 = vector.broadcast %reduce_sum3A_335 : i1 to vector<16xi1>
          %reduce_sum3A_337 = tpu.scan <sum>, %select_n3A_334 masked %reduce_sum3A_336 : vector<16xi32>, vector<16xi1> -> vector<16xi32>
          %reduce_sum3A_338 = vector.extract %reduce_sum3A_337[15] : i32 from vector<16xi32>
          %add3A_339 = arith.addi %reduce_sum3A_338, %mul3A_17 : i32
          %mul3A_340 = arith.constant 0 : i32
          %mul3A_341 = vector.broadcast %mul3A_340 : i32 to vector<16xi32>
          %mul3A_342 = arith.muli %iota3A, %mul3A_341 : vector<16xi32>
          %sub3A = arith.subi %add3A_339, %multiple_of3A_274 : i32
          %add3A_343 = vector.broadcast %sub3A : i32 to vector<16xi32>
          %add3A_344 = arith.addi %mul3A_342, %add3A_343 : vector<16xi32>
          %jit3A_345 = arith.constant 2 : i32
          %eq3A_346 = arith.constant 0 : i32
          %eq3A_347 = arith.cmpi eq, %jit3A_345, %eq3A_346 : i32
          %jit3A_348 = arith.constant 1 : i32
          %select_n3A_349 = arith.select %eq3A_347, %jit3A_348, %jit3A_345 : i32
          %rem3A_350 = arith.remsi %while3A_216, %select_n3A_349 : i32
          %ne3A_351 = arith.constant 0 : i32
          %ne3A_352 = arith.cmpi ne, %rem3A_350, %ne3A_351 : i32
          %lt3A_353 = arith.constant 0 : i32
          %lt3A_354 = arith.cmpi slt, %rem3A_350, %lt3A_353 : i32
          %lt3A_355 = arith.constant 0 : i32
          %lt3A_356 = arith.cmpi slt, %select_n3A_349, %lt3A_355 : i32
          %ne3A_357 = arith.xori %lt3A_354, %lt3A_356 : i1
          %and3A_358 = arith.andi %ne3A_357, %ne3A_352 : i1
          %add3A_359 = arith.addi %rem3A_350, %select_n3A_349 : i32
          %select_n3A_360 = arith.select %and3A_358, %add3A_359, %rem3A_350 : i32
          %gather3A = arith.constant 0 : i32
          %gather3A_361 = arith.constant 0 : i32
          %gather3A_362 = arith.constant 0 : i32
          %gather3A_363 = tpu.memref_slice %arg15[%select_n3A_360, %gather3A, %gather3A_361, %gather3A_362] : memref<2x4x8x1280xf32, #tpu.memory_space<vmem>> -> memref<1x4x8x1280xf32, #tpu.memory_space<vmem>>
          %gather3A_364 = tpu.memref_squeeze %gather3A_363 : memref<1x4x8x1280xf32, #tpu.memory_space<vmem>> -> memref<4x8x1280xf32, #tpu.memory_space<vmem>>
          %gather3A_365 = tpu.vector_load_idx %gather3A_364[%shift_right_logical3A_4, %and3A_9, %add3A_344] : memref<4x8x1280xf32, #tpu.memory_space<vmem>>[vector<16xi32>, vector<16xi32>, vector<16xi32>], vector<16xf32>,
          %jit3A_366 = arith.constant 2 : i32
          %eq3A_367 = arith.constant 0 : i32
          %eq3A_368 = arith.cmpi eq, %jit3A_366, %eq3A_367 : i32
          %jit3A_369 = arith.constant 1 : i32
          %select_n3A_370 = arith.select %eq3A_368, %jit3A_369, %jit3A_366 : i32
          %rem3A_371 = arith.remsi %while3A_216, %select_n3A_370 : i32
          %ne3A_372 = arith.constant 0 : i32
          %ne3A_373 = arith.cmpi ne, %rem3A_371, %ne3A_372 : i32
          %lt3A_374 = arith.constant 0 : i32
          %lt3A_375 = arith.cmpi slt, %rem3A_371, %lt3A_374 : i32
          %lt3A_376 = arith.constant 0 : i32
          %lt3A_377 = arith.cmpi slt, %select_n3A_370, %lt3A_376 : i32
          %ne3A_378 = arith.xori %lt3A_375, %lt3A_377 : i1
          %and3A_379 = arith.andi %ne3A_378, %ne3A_373 : i1
          %add3A_380 = arith.addi %rem3A_371, %select_n3A_370 : i32
          %select_n3A_381 = arith.select %and3A_379, %add3A_380, %rem3A_371 : i32
          %gather3A_382 = arith.constant 0 : i32
          %gather3A_383 = arith.constant 0 : i32
          %gather3A_384 = arith.constant 0 : i32
          %gather3A_385 = tpu.memref_slice %arg15[%select_n3A_381, %gather3A_382, %gather3A_383, %gather3A_384] : memref<2x4x8x1280xf32, #tpu.memory_space<vmem>> -> memref<1x4x8x1280xf32, #tpu.memory_space<vmem>>
          %gather3A_386 = tpu.memref_squeeze %gather3A_385 : memref<1x4x8x1280xf32, #tpu.memory_space<vmem>> -> memref<4x8x1280xf32, #tpu.memory_space<vmem>>
          %gather3A_387 = tpu.vector_load_idx %gather3A_386[%add3A_7, %and3A_9, %add3A_344] : memref<4x8x1280xf32, #tpu.memory_space<vmem>>[vector<16xi32>, vector<16xi32>, vector<16xi32>], vector<16xf32>,
          %sub3A_388 = arith.constant 2599936 : i32
          %sub3A_389 = arith.subi %add3A_339, %sub3A_388 : i32
          %max3A = arith.constant 0 : i32
          %max3A_390 = arith.maxsi %sub3A_389, %max3A : i32
          %min3A_391 = arith.constant 63 : i32
          %min3A_392 = arith.minsi %max3A_390, %min3A_391 : i32
          %get3A_393 = arith.index_cast %min3A_392 : i32 to index
          %get3A_394 = arith.constant 0 : index
          %get3A_395 = tpu.vector_load %arg10[%get3A_393, %get3A_394] {strides = array<i32>} : memref<64x32xf32, #tpu.memory_space<vmem>>, vector<16xf32>,
          %get3A_396 = arith.index_cast %min3A_392 : i32 to index
          %get3A_397 = arith.constant 16 : index
          %get3A_398 = tpu.vector_load %arg10[%get3A_396, %get3A_397] {strides = array<i32>} : memref<64x32xf32, #tpu.memory_space<vmem>>, vector<16xf32>,
          %mul3A_399 = arith.constant 0 : i32
          %mul3A_400 = vector.broadcast %mul3A_399 : i32 to vector<16xi32>
          %mul3A_401 = arith.muli %iota3A, %mul3A_400 : vector<16xi32>
          %ge3A = arith.constant 2599936 : i32
          %ge3A_402 = arith.cmpi sge, %add3A_339, %ge3A : i32
          %jit3A_403 = arith.constant 1 : i32
          %jit3A_404 = arith.constant 0 : i32
          %select_n3A_405 = arith.select %ge3A_402, %jit3A_403, %jit3A_404 : i32
          %add3A_406 = vector.broadcast %select_n3A_405 : i32 to vector<16xi32>
          %add3A_407 = arith.addi %mul3A_401, %add3A_406 : vector<16xi32>
          %eq3A_408 = arith.constant 1 : i32
          %eq3A_409 = vector.broadcast %eq3A_408 : i32 to vector<16xi32>
          %eq3A_410 = arith.cmpi eq, %add3A_407, %eq3A_409 : vector<16xi32>
          %select_n3A_411 = arith.select %eq3A_410, %get3A_395, %gather3A_365 : vector<16xi1>, vector<16xf32>
          %eq3A_412 = arith.constant 1 : i32
          %eq3A_413 = vector.broadcast %eq3A_412 : i32 to vector<16xi32>
          %eq3A_414 = arith.cmpi eq, %add3A_407, %eq3A_413 : vector<16xi32>
          %select_n3A_415 = arith.select %eq3A_414, %get3A_398, %gather3A_387 : vector<16xi1>, vector<16xf32>
          %shift_right_arithmetic3A_416 = arith.constant 2 : i32
          %shift_right_arithmetic3A_417 = arith.shrsi %while3A_320, %shift_right_arithmetic3A_416 : i32
          %and3A_418 = arith.constant 3 : i32
          %and3A_419 = arith.andi %while3A_320, %and3A_418 : i32
          %mul3A_420 = arith.constant 32 : i32
          %mul3A_421 = arith.muli %and3A_419, %mul3A_420 : i32
          %swap3A_422 = arith.index_cast %shift_right_arithmetic3A_417 : i32 to index
          %swap3A_423 = arith.index_cast %mul3A_421 : i32 to index
          %swap3A_424 = tpu.vector_load %arg16[%swap3A_422, %swap3A_423] {strides = array<i32>} : memref<32x128xf32, #tpu.memory_space<vmem>>, vector<16xf32>,
          tpu.vector_store %arg16[%swap3A_422, %swap3A_423], %select_n3A_411 {strides = array<i32>} : memref<32x128xf32, #tpu.memory_space<vmem>>, vector<16xf32>,
          %add3A_425 = arith.constant 16 : i32
          %add3A_426 = arith.addi %mul3A_421, %add3A_425 : i32
          %swap3A_427 = arith.index_cast %shift_right_arithmetic3A_417 : i32 to index
          %swap3A_428 = arith.index_cast %add3A_426 : i32 to index
          %swap3A_429 = tpu.vector_load %arg16[%swap3A_427, %swap3A_428] {strides = array<i32>} : memref<32x128xf32, #tpu.memory_space<vmem>>, vector<16xf32>,
          tpu.vector_store %arg16[%swap3A_427, %swap3A_428], %select_n3A_415 {strides = array<i32>} : memref<32x128xf32, #tpu.memory_space<vmem>>, vector<16xf32>,
        }
        %while3A_319 = arith.constant 1 : i32
        scf.for %while3A_320 = %while3A_317 to %while3A_313 step %while3A_319  : i32 {
          %shift_right_arithmetic3A_321 = arith.constant 4 : i32
          %shift_right_arithmetic3A_322 = arith.shrsi %while3A_320, %shift_right_arithmetic3A_321 : i32
          %shift_left3A_323 = arith.constant 4 : i32
          %shift_left3A_324 = arith.shli %shift_right_arithmetic3A_322, %shift_left3A_323 : i32
          %get3A_325 = arith.index_cast %scan3A_15 : i32 to index
          %get3A_326 = arith.index_cast %shift_left3A_324 : i32 to index
          %get3A_327 = tpu.vector_load %arg8[%get3A_325, %get3A_326] {strides = array<i32>} : memref<26x128xi32, #tpu.memory_space<vmem>>, vector<16xi32>,
          %and3A_328 = arith.constant 15 : i32
          %and3A_329 = arith.andi %while3A_320, %and3A_328 : i32
          %eq3A_330 = vector.broadcast %and3A_329 : i32 to vector<16xi32>
          %eq3A_331 = arith.cmpi eq, %iota3A, %eq3A_330 : vector<16xi32>
          %jit3A_332 = arith.constant 0 : i32
          %broadcast_in_dim3A_333 = vector.broadcast %jit3A_332 : i32 to vector<16xi32>
          %select_n3A_334 = arith.select %eq3A_331, %get3A_327, %broadcast_in_dim3A_333 : vector<16xi1>, vector<16xi32>
          %reduce_sum3A_335 = arith.constant true
          %reduce_sum3A_336 = vector.broadcast %reduce_sum3A_335 : i1 to vector<16xi1>
          %reduce_sum3A_337 = tpu.scan <sum>, %select_n3A_334 masked %reduce_sum3A_336 : vector<16xi32>, vector<16xi1> -> vector<16xi32>
          %reduce_sum3A_338 = vector.extract %reduce_sum3A_337[15] : i32 from vector<16xi32>
          %add3A_339 = arith.addi %reduce_sum3A_338, %mul3A_17 : i32
          %mul3A_340 = arith.constant 0 : i32
          %mul3A_341 = vector.broadcast %mul3A_340 : i32 to vector<16xi32>
          %mul3A_342 = arith.muli %iota3A, %mul3A_341 : vector<16xi32>
          %sub3A = arith.subi %add3A_339, %multiple_of3A_274 : i32
          %add3A_343 = vector.broadcast %sub3A : i32 to vector<16xi32>
          %add3A_344 = arith.addi %mul3A_342, %add3A_343 : vector<16xi32>
          %jit3A_345 = arith.constant 2 : i32
          %eq3A_346 = arith.constant 0 : i32
          %eq3A_347 = arith.cmpi eq, %jit3A_345, %eq3A_346 : i32
          %jit3A_348 = arith.constant 1 : i32
          %select_n3A_349 = arith.select %eq3A_347, %jit3A_348, %jit3A_345 : i32
          %rem3A_350 = arith.remsi %while3A_216, %select_n3A_349 : i32
          %ne3A_351 = arith.constant 0 : i32
          %ne3A_352 = arith.cmpi ne, %rem3A_350, %ne3A_351 : i32
          %lt3A_353 = arith.constant 0 : i32
          %lt3A_354 = arith.cmpi slt, %rem3A_350, %lt3A_353 : i32
          %lt3A_355 = arith.constant 0 : i32
          %lt3A_356 = arith.cmpi slt, %select_n3A_349, %lt3A_355 : i32
          %ne3A_357 = arith.xori %lt3A_354, %lt3A_356 : i1
          %and3A_358 = arith.andi %ne3A_357, %ne3A_352 : i1
          %add3A_359 = arith.addi %rem3A_350, %select_n3A_349 : i32
          %select_n3A_360 = arith.select %and3A_358, %add3A_359, %rem3A_350 : i32
          %gather3A = arith.constant 0 : i32
          %gather3A_361 = arith.constant 0 : i32
          %gather3A_362 = arith.constant 0 : i32
          %gather3A_363 = tpu.memref_slice %arg15[%select_n3A_360, %gather3A, %gather3A_361, %gather3A_362] : memref<2x4x8x1280xf32, #tpu.memory_space<vmem>> -> memref<1x4x8x1280xf32, #tpu.memory_space<vmem>>
          %gather3A_364 = tpu.memref_squeeze %gather3A_363 : memref<1x4x8x1280xf32, #tpu.memory_space<vmem>> -> memref<4x8x1280xf32, #tpu.memory_space<vmem>>
          %gather3A_365 = tpu.vector_load_idx %gather3A_364[%shift_right_logical3A_4, %and3A_9, %add3A_344] : memref<4x8x1280xf32, #tpu.memory_space<vmem>>[vector<16xi32>, vector<16xi32>, vector<16xi32>], vector<16xf32>,
          %jit3A_366 = arith.constant 2 : i32
          %eq3A_367 = arith.constant 0 : i32
          %eq3A_368 = arith.cmpi eq, %jit3A_366, %eq3A_367 : i32
          %jit3A_369 = arith.constant 1 : i32
          %select_n3A_370 = arith.select %eq3A_368, %jit3A_369, %jit3A_366 : i32
          %rem3A_371 = arith.remsi %while3A_216, %select_n3A_370 : i32
          %ne3A_372 = arith.constant 0 : i32
          %ne3A_373 = arith.cmpi ne, %rem3A_371, %ne3A_372 : i32
          %lt3A_374 = arith.constant 0 : i32
          %lt3A_375 = arith.cmpi slt, %rem3A_371, %lt3A_374 : i32
          %lt3A_376 = arith.constant 0 : i32
          %lt3A_377 = arith.cmpi slt, %select_n3A_370, %lt3A_376 : i32
          %ne3A_378 = arith.xori %lt3A_375, %lt3A_377 : i1
          %and3A_379 = arith.andi %ne3A_378, %ne3A_373 : i1
          %add3A_380 = arith.addi %rem3A_371, %select_n3A_370 : i32
          %select_n3A_381 = arith.select %and3A_379, %add3A_380, %rem3A_371 : i32
          %gather3A_382 = arith.constant 0 : i32
          %gather3A_383 = arith.constant 0 : i32
          %gather3A_384 = arith.constant 0 : i32
          %gather3A_385 = tpu.memref_slice %arg15[%select_n3A_381, %gather3A_382, %gather3A_383, %gather3A_384] : memref<2x4x8x1280xf32, #tpu.memory_space<vmem>> -> memref<1x4x8x1280xf32, #tpu.memory_space<vmem>>
          %gather3A_386 = tpu.memref_squeeze %gather3A_385 : memref<1x4x8x1280xf32, #tpu.memory_space<vmem>> -> memref<4x8x1280xf32, #tpu.memory_space<vmem>>
          %gather3A_387 = tpu.vector_load_idx %gather3A_386[%add3A_7, %and3A_9, %add3A_344] : memref<4x8x1280xf32, #tpu.memory_space<vmem>>[vector<16xi32>, vector<16xi32>, vector<16xi32>], vector<16xf32>,
          %sub3A_388 = arith.constant 2599936 : i32
          %sub3A_389 = arith.subi %add3A_339, %sub3A_388 : i32
          %max3A = arith.constant 0 : i32
          %max3A_390 = arith.maxsi %sub3A_389, %max3A : i32
          %min3A_391 = arith.constant 63 : i32
          %min3A_392 = arith.minsi %max3A_390, %min3A_391 : i32
          %get3A_393 = arith.index_cast %min3A_392 : i32 to index
          %get3A_394 = arith.constant 0 : index
          %get3A_395 = tpu.vector_load %arg10[%get3A_393, %get3A_394] {strides = array<i32>} : memref<64x32xf32, #tpu.memory_space<vmem>>, vector<16xf32>,
          %get3A_396 = arith.index_cast %min3A_392 : i32 to index
          %get3A_397 = arith.constant 16 : index
          %get3A_398 = tpu.vector_load %arg10[%get3A_396, %get3A_397] {strides = array<i32>} : memref<64x32xf32, #tpu.memory_space<vmem>>, vector<16xf32>,
          %mul3A_399 = arith.constant 0 : i32
          %mul3A_400 = vector.broadcast %mul3A_399 : i32 to vector<16xi32>
          %mul3A_401 = arith.muli %iota3A, %mul3A_400 : vector<16xi32>
          %ge3A = arith.constant 2599936 : i32
          %ge3A_402 = arith.cmpi sge, %add3A_339, %ge3A : i32
          %jit3A_403 = arith.constant 1 : i32
          %jit3A_404 = arith.constant 0 : i32
          %select_n3A_405 = arith.select %ge3A_402, %jit3A_403, %jit3A_404 : i32
          %add3A_406 = vector.broadcast %select_n3A_405 : i32 to vector<16xi32>
          %add3A_407 = arith.addi %mul3A_401, %add3A_406 : vector<16xi32>
          %eq3A_408 = arith.constant 1 : i32
          %eq3A_409 = vector.broadcast %eq3A_408 : i32 to vector<16xi32>
          %eq3A_410 = arith.cmpi eq, %add3A_407, %eq3A_409 : vector<16xi32>
          %select_n3A_411 = arith.select %eq3A_410, %get3A_395, %gather3A_365 : vector<16xi1>, vector<16xf32>
          %eq3A_412 = arith.constant 1 : i32
          %eq3A_413 = vector.broadcast %eq3A_412 : i32 to vector<16xi32>
          %eq3A_414 = arith.cmpi eq, %add3A_407, %eq3A_413 : vector<16xi32>
          %select_n3A_415 = arith.select %eq3A_414, %get3A_398, %gather3A_387 : vector<16xi1>, vector<16xf32>
          %shift_right_arithmetic3A_416 = arith.constant 2 : i32
          %shift_right_arithmetic3A_417 = arith.shrsi %while3A_320, %shift_right_arithmetic3A_416 : i32
          %and3A_418 = arith.constant 3 : i32
          %and3A_419 = arith.andi %while3A_320, %and3A_418 : i32
          %mul3A_420 = arith.constant 32 : i32
          %mul3A_421 = arith.muli %and3A_419, %mul3A_420 : i32
          %swap3A_422 = arith.index_cast %shift_right_arithmetic3A_417 : i32 to index
          %swap3A_423 = arith.index_cast %mul3A_421 : i32 to index
          %swap3A_424 = tpu.vector_load %arg16[%swap3A_422, %swap3A_423] {strides = array<i32>} : memref<32x128xf32, #tpu.memory_space<vmem>>, vector<16xf32>,
          tpu.vector_store %arg16[%swap3A_422, %swap3A_423], %select_n3A_411 {strides = array<i32>} : memref<32x128xf32, #tpu.memory_space<vmem>>, vector<16xf32>,
          %add3A_425 = arith.constant 16 : i32
          %add3A_426 = arith.addi %mul3A_421, %add3A_425 : i32
          %swap3A_427 = arith.index_cast %shift_right_arithmetic3A_417 : i32 to index
          %swap3A_428 = arith.index_cast %add3A_426 : i32 to index
          %swap3A_429 = tpu.vector_load %arg16[%swap3A_427, %swap3A_428] {strides = array<i32>} : memref<32x128xf32, #tpu.memory_space<vmem>>, vector<16xf32>,
          tpu.vector_store %arg16[%swap3A_427, %swap3A_428], %select_n3A_415 {strides = array<i32>} : memref<32x128xf32, #tpu.memory_space<vmem>>, vector<16xf32>,
        }
      }
      %mul3A_214 = arith.constant 32 : i32
      %mul3A_215 = arith.muli %add3A, %mul3A_214 : i32
      "tpu.region"() ({
        %run_scoped3A = tpu.sem_alloc : memref<!tpu.dma_semaphore, #tpu.memory_space<semaphore_mem>>
        %dma_start3A_216 = arith.constant 0 : i32
        %dma_start3A_217 = tpu.memref_slice %arg6[%scan3A_15, %mul3A_215, %dma_start3A_216] : memref<26x1024x128xf32, #tpu.memory_space<hbm>> -> memref<1x32x128xf32, #tpu.memory_space<hbm>>
        %dma_start3A_218 = tpu.memref_squeeze %dma_start3A_217 : memref<1x32x128xf32, #tpu.memory_space<hbm>> -> memref<32x128xf32, #tpu.memory_space<hbm>>
        %dma_start3A_219 = arith.constant 0 : i32
        %dma_start3A_220 = tpu.memref_slice %arg6[%scan3A_15, %mul3A_215, %dma_start3A_219] : memref<26x1024x128xf32, #tpu.memory_space<hbm>> -> memref<1x32x128xf32, #tpu.memory_space<hbm>>
        %dma_start3A_221 = tpu.memref_squeeze %dma_start3A_220 : memref<1x32x128xf32, #tpu.memory_space<hbm>> -> memref<32x128xf32, #tpu.memory_space<hbm>>
        tpu.enqueue_dma source(%arg16 : memref<32x128xf32, #tpu.memory_space<vmem>>) target(%dma_start3A_221 : memref<32x128xf32, #tpu.memory_space<hbm>>) target_semaphore(%run_scoped3A : memref<!tpu.dma_semaphore, #tpu.memory_space<semaphore_mem>>)
        %dma_wait3A = arith.constant 0 : i32
        %dma_wait3A_222 = tpu.memref_slice %arg6[%scan3A_15, %mul3A_215, %dma_wait3A] : memref<26x1024x128xf32, #tpu.memory_space<hbm>> -> memref<1x32x128xf32, #tpu.memory_space<hbm>>
        %dma_wait3A_223 = tpu.memref_squeeze %dma_wait3A_222 : memref<1x32x128xf32, #tpu.memory_space<hbm>> -> memref<32x128xf32, #tpu.memory_space<hbm>>
        %dma_wait3A_224 = arith.constant 0 : i32
        %dma_wait3A_225 = tpu.memref_slice %arg6[%scan3A_15, %mul3A_215, %dma_wait3A_224] : memref<26x1024x128xf32, #tpu.memory_space<hbm>> -> memref<1x32x128xf32, #tpu.memory_space<hbm>>
        %dma_wait3A_226 = tpu.memref_squeeze %dma_wait3A_225 : memref<1x32x128xf32, #tpu.memory_space<hbm>> -> memref<32x128xf32, #tpu.memory_space<hbm>>
        tpu.wait_dma2 semaphore(%run_scoped3A : memref<!tpu.dma_semaphore, #tpu.memory_space<semaphore_mem>>) src(%arg16 : memref<32x128xf32, #tpu.memory_space<vmem>>) dst(%dma_wait3A_226 : memref<32x128xf32, #tpu.memory_space<hbm>>)
        tpu.yield
      }) : () -> ()
    }
    %scan3A_14 = arith.constant 26 : i32
    return
  }
}

#map = affine_map<(d0, d1) -> (0, 0, 0)>
#map1 = affine_map<(d0, d1) -> (0, 0)>
module attributes {stable_mosaic.version = 14 : i64} {
  func.func @_body2(%arg0: i32, %arg1: i32, %arg2: memref<26x1024x128xf32, #tpu.memory_space<hbm>>, %arg3: memref<26x32x128xi32, #tpu.memory_space<hbm>>, %arg4: memref<106496x32xf32, #tpu.memory_space<hbm>>, %arg5: memref<32x128xf32, #tpu.memory_space<vmem>>, %arg6: memref<128x32xf32, #tpu.memory_space<vmem>>, %arg7: memref<128xi32, #tpu.memory_space<vmem>>, %arg8: memref<!tpu.dma_semaphore, #tpu.memory_space<semaphore_mem>>) attributes {dimension_semantics = [#tpu.dimension_semantics<core_parallel>, #tpu.dimension_semantics<subcore_parallel>], iteration_bounds = array<i64: 2, 16>, scalar_prefetch = 0 : i64, scratch_operands = 4 : i64, tpu.core_type = #tpu.core_type<sc_vector_subcore>, window_params = [{transform_indices = #map}, {transform_indices = #map}, {transform_indices = #map1}]} {
    %mul3A = arith.constant 2 : i32
    %mul3A_0 = arith.muli %arg1, %mul3A : i32
    %add3A = arith.addi %mul3A_0, %arg0 : i32
    %scan3A = arith.constant 0 : i32
    %scan3A_1 = arith.constant 0 : i32
    %scan3A_2 = arith.constant 26 : i32
    %scan3A_3 = arith.addi %scan3A_1, %scan3A_2 : i32
    %scan3A_4 = arith.constant 1 : i32
    scf.for %scan3A_6 = %scan3A_1 to %scan3A_3 step %scan3A_4  : i32 {
      %mul3A_7 = arith.constant 32 : i32
      %mul3A_8 = arith.muli %add3A, %mul3A_7 : i32
      "tpu.region"() ({
        %run_scoped3A = tpu.sem_alloc : memref<!tpu.dma_semaphore, #tpu.memory_space<semaphore_mem>>
        %dma_start3A_19 = arith.constant 0 : i32
        %dma_start3A_20 = tpu.memref_slice %arg2[%scan3A_6, %mul3A_8, %dma_start3A_19] : memref<26x1024x128xf32, #tpu.memory_space<hbm>> -> memref<1x32x128xf32, #tpu.memory_space<hbm>>
        %dma_start3A_21 = tpu.memref_squeeze %dma_start3A_20 : memref<1x32x128xf32, #tpu.memory_space<hbm>> -> memref<32x128xf32, #tpu.memory_space<hbm>>
        %dma_start3A_22 = arith.constant 0 : i32
        %dma_start3A_23 = tpu.memref_slice %arg2[%scan3A_6, %mul3A_8, %dma_start3A_22] : memref<26x1024x128xf32, #tpu.memory_space<hbm>> -> memref<1x32x128xf32, #tpu.memory_space<hbm>>
        %dma_start3A_24 = tpu.memref_squeeze %dma_start3A_23 : memref<1x32x128xf32, #tpu.memory_space<hbm>> -> memref<32x128xf32, #tpu.memory_space<hbm>>
        tpu.enqueue_dma source(%dma_start3A_24 : memref<32x128xf32, #tpu.memory_space<hbm>>) target(%arg5 : memref<32x128xf32, #tpu.memory_space<vmem>>) target_semaphore(%run_scoped3A : memref<!tpu.dma_semaphore, #tpu.memory_space<semaphore_mem>>)
        %dma_wait3A_25 = arith.constant 0 : i32
        %dma_wait3A_26 = tpu.memref_slice %arg2[%scan3A_6, %mul3A_8, %dma_wait3A_25] : memref<26x1024x128xf32, #tpu.memory_space<hbm>> -> memref<1x32x128xf32, #tpu.memory_space<hbm>>
        %dma_wait3A_27 = tpu.memref_squeeze %dma_wait3A_26 : memref<1x32x128xf32, #tpu.memory_space<hbm>> -> memref<32x128xf32, #tpu.memory_space<hbm>>
        %dma_wait3A_28 = arith.constant 0 : i32
        %dma_wait3A_29 = tpu.memref_slice %arg2[%scan3A_6, %mul3A_8, %dma_wait3A_28] : memref<26x1024x128xf32, #tpu.memory_space<hbm>> -> memref<1x32x128xf32, #tpu.memory_space<hbm>>
        %dma_wait3A_30 = tpu.memref_squeeze %dma_wait3A_29 : memref<1x32x128xf32, #tpu.memory_space<hbm>> -> memref<32x128xf32, #tpu.memory_space<hbm>>
        tpu.wait_dma2 semaphore(%run_scoped3A : memref<!tpu.dma_semaphore, #tpu.memory_space<semaphore_mem>>) src(%dma_wait3A_30 : memref<32x128xf32, #tpu.memory_space<hbm>>) dst(%arg5 : memref<32x128xf32, #tpu.memory_space<vmem>>)
        tpu.yield
      }) : () -> ()
      "tpu.region"() ({
        %run_scoped3A = tpu.sem_alloc : memref<!tpu.dma_semaphore, #tpu.memory_space<semaphore_mem>>
        %dma_start3A_19 = arith.constant 0 : i32
        %dma_start3A_20 = tpu.memref_slice %arg3[%scan3A_6, %add3A, %dma_start3A_19] : memref<26x32x128xi32, #tpu.memory_space<hbm>> -> memref<1x1x128xi32, #tpu.memory_space<hbm>>
        %dma_start3A_21 = tpu.memref_squeeze %dma_start3A_20 : memref<1x1x128xi32, #tpu.memory_space<hbm>> -> memref<128xi32, #tpu.memory_space<hbm>>
        %dma_start3A_22 = arith.constant 0 : i32
        %dma_start3A_23 = tpu.memref_slice %arg3[%scan3A_6, %add3A, %dma_start3A_22] : memref<26x32x128xi32, #tpu.memory_space<hbm>> -> memref<1x1x128xi32, #tpu.memory_space<hbm>>
        %dma_start3A_24 = tpu.memref_squeeze %dma_start3A_23 : memref<1x1x128xi32, #tpu.memory_space<hbm>> -> memref<128xi32, #tpu.memory_space<hbm>>
        tpu.enqueue_dma source(%dma_start3A_24 : memref<128xi32, #tpu.memory_space<hbm>>) target(%arg7 : memref<128xi32, #tpu.memory_space<vmem>>) target_semaphore(%run_scoped3A : memref<!tpu.dma_semaphore, #tpu.memory_space<semaphore_mem>>)
        %dma_wait3A_25 = arith.constant 0 : i32
        %dma_wait3A_26 = tpu.memref_slice %arg3[%scan3A_6, %add3A, %dma_wait3A_25] : memref<26x32x128xi32, #tpu.memory_space<hbm>> -> memref<1x1x128xi32, #tpu.memory_space<hbm>>
        %dma_wait3A_27 = tpu.memref_squeeze %dma_wait3A_26 : memref<1x1x128xi32, #tpu.memory_space<hbm>> -> memref<128xi32, #tpu.memory_space<hbm>>
        %dma_wait3A_28 = arith.constant 0 : i32
        %dma_wait3A_29 = tpu.memref_slice %arg3[%scan3A_6, %add3A, %dma_wait3A_28] : memref<26x32x128xi32, #tpu.memory_space<hbm>> -> memref<1x1x128xi32, #tpu.memory_space<hbm>>
        %dma_wait3A_30 = tpu.memref_squeeze %dma_wait3A_29 : memref<1x1x128xi32, #tpu.memory_space<hbm>> -> memref<128xi32, #tpu.memory_space<hbm>>
        tpu.wait_dma2 semaphore(%run_scoped3A : memref<!tpu.dma_semaphore, #tpu.memory_space<semaphore_mem>>) src(%dma_wait3A_30 : memref<128xi32, #tpu.memory_space<hbm>>) dst(%arg7 : memref<128xi32, #tpu.memory_space<vmem>>)
        tpu.yield
      }) : () -> ()
      %scan3A_9 = arith.constant 0 : i32
      %scan3A_10 = arith.constant 0 : i32
      %scan3A_11 = arith.constant 256 : i32
      %scan3A_12 = arith.addi %scan3A_10, %scan3A_11 : i32
      %scan3A_13 = arith.constant 8 : i32
      scf.for %scan3A_19 = %scan3A_10 to %scan3A_12 step %scan3A_13  : i32 {
        %shift_right_arithmetic3A = arith.constant 1 : i32
        %shift_right_arithmetic3A_20 = arith.shrsi %scan3A_19, %shift_right_arithmetic3A : i32
        %and3A = arith.constant 1 : i32
        %and3A_21 = arith.andi %scan3A_19, %and3A : i32
        %mul3A_22 = arith.constant 16 : i32
        %mul3A_23 = arith.muli %and3A_21, %mul3A_22 : i32
        %shift_right_arithmetic3A_24 = arith.constant 2 : i32
        %shift_right_arithmetic3A_25 = arith.shrsi %shift_right_arithmetic3A_20, %shift_right_arithmetic3A_24 : i32
        %and3A_26 = arith.constant 3 : i32
        %and3A_27 = arith.andi %shift_right_arithmetic3A_20, %and3A_26 : i32
        %mul3A_28 = arith.constant 32 : i32
        %mul3A_29 = arith.muli %and3A_27, %mul3A_28 : i32
        %add3A_30 = arith.addi %mul3A_29, %mul3A_23 : i32
        %get3A = arith.index_cast %shift_right_arithmetic3A_25 : i32 to index
        %get3A_31 = arith.index_cast %add3A_30 : i32 to index
        %get3A_32 = tpu.vector_load %arg5[%get3A, %get3A_31] {strides = array<i32>} : memref<32x128xf32, #tpu.memory_space<vmem>>, vector<16xf32>,
        %swap3A = arith.index_cast %shift_right_arithmetic3A_20 : i32 to index
        %swap3A_33 = arith.index_cast %mul3A_23 : i32 to index
        %swap3A_34 = tpu.vector_load %arg6[%swap3A, %swap3A_33] {strides = array<i32>} : memref<128x32xf32, #tpu.memory_space<vmem>>, vector<16xf32>,
        tpu.vector_store %arg6[%swap3A, %swap3A_33], %get3A_32 {strides = array<i32>} : memref<128x32xf32, #tpu.memory_space<vmem>>, vector<16xf32>,
        %scan3A_35 = arith.constant 1 : i32
        %scan3A_36 = arith.addi %scan3A_19, %scan3A_35 : i32
        %shift_right_arithmetic3A_37 = arith.constant 1 : i32
        %shift_right_arithmetic3A_38 = arith.shrsi %scan3A_36, %shift_right_arithmetic3A_37 : i32
        %and3A_39 = arith.constant 1 : i32
        %and3A_40 = arith.andi %scan3A_36, %and3A_39 : i32
        %mul3A_41 = arith.constant 16 : i32
        %mul3A_42 = arith.muli %and3A_40, %mul3A_41 : i32
        %shift_right_arithmetic3A_43 = arith.constant 2 : i32
        %shift_right_arithmetic3A_44 = arith.shrsi %shift_right_arithmetic3A_38, %shift_right_arithmetic3A_43 : i32
        %and3A_45 = arith.constant 3 : i32
        %and3A_46 = arith.andi %shift_right_arithmetic3A_38, %and3A_45 : i32
        %mul3A_47 = arith.constant 32 : i32
        %mul3A_48 = arith.muli %and3A_46, %mul3A_47 : i32
        %add3A_49 = arith.addi %mul3A_48, %mul3A_42 : i32
        %get3A_50 = arith.index_cast %shift_right_arithmetic3A_44 : i32 to index
        %get3A_51 = arith.index_cast %add3A_49 : i32 to index
        %get3A_52 = tpu.vector_load %arg5[%get3A_50, %get3A_51] {strides = array<i32>} : memref<32x128xf32, #tpu.memory_space<vmem>>, vector<16xf32>,
        %swap3A_53 = arith.index_cast %shift_right_arithmetic3A_38 : i32 to index
        %swap3A_54 = arith.index_cast %mul3A_42 : i32 to index
        %swap3A_55 = tpu.vector_load %arg6[%swap3A_53, %swap3A_54] {strides = array<i32>} : memref<128x32xf32, #tpu.memory_space<vmem>>, vector<16xf32>,
        tpu.vector_store %arg6[%swap3A_53, %swap3A_54], %get3A_52 {strides = array<i32>} : memref<128x32xf32, #tpu.memory_space<vmem>>, vector<16xf32>,
        %scan3A_56 = arith.constant 2 : i32
        %scan3A_57 = arith.addi %scan3A_19, %scan3A_56 : i32
        %shift_right_arithmetic3A_58 = arith.constant 1 : i32
        %shift_right_arithmetic3A_59 = arith.shrsi %scan3A_57, %shift_right_arithmetic3A_58 : i32
        %and3A_60 = arith.constant 1 : i32
        %and3A_61 = arith.andi %scan3A_57, %and3A_60 : i32
        %mul3A_62 = arith.constant 16 : i32
        %mul3A_63 = arith.muli %and3A_61, %mul3A_62 : i32
        %shift_right_arithmetic3A_64 = arith.constant 2 : i32
        %shift_right_arithmetic3A_65 = arith.shrsi %shift_right_arithmetic3A_59, %shift_right_arithmetic3A_64 : i32
        %and3A_66 = arith.constant 3 : i32
        %and3A_67 = arith.andi %shift_right_arithmetic3A_59, %and3A_66 : i32
        %mul3A_68 = arith.constant 32 : i32
        %mul3A_69 = arith.muli %and3A_67, %mul3A_68 : i32
        %add3A_70 = arith.addi %mul3A_69, %mul3A_63 : i32
        %get3A_71 = arith.index_cast %shift_right_arithmetic3A_65 : i32 to index
        %get3A_72 = arith.index_cast %add3A_70 : i32 to index
        %get3A_73 = tpu.vector_load %arg5[%get3A_71, %get3A_72] {strides = array<i32>} : memref<32x128xf32, #tpu.memory_space<vmem>>, vector<16xf32>,
        %swap3A_74 = arith.index_cast %shift_right_arithmetic3A_59 : i32 to index
        %swap3A_75 = arith.index_cast %mul3A_63 : i32 to index
        %swap3A_76 = tpu.vector_load %arg6[%swap3A_74, %swap3A_75] {strides = array<i32>} : memref<128x32xf32, #tpu.memory_space<vmem>>, vector<16xf32>,
        tpu.vector_store %arg6[%swap3A_74, %swap3A_75], %get3A_73 {strides = array<i32>} : memref<128x32xf32, #tpu.memory_space<vmem>>, vector<16xf32>,
        %scan3A_77 = arith.constant 3 : i32
        %scan3A_78 = arith.addi %scan3A_19, %scan3A_77 : i32
        %shift_right_arithmetic3A_79 = arith.constant 1 : i32
        %shift_right_arithmetic3A_80 = arith.shrsi %scan3A_78, %shift_right_arithmetic3A_79 : i32
        %and3A_81 = arith.constant 1 : i32
        %and3A_82 = arith.andi %scan3A_78, %and3A_81 : i32
        %mul3A_83 = arith.constant 16 : i32
        %mul3A_84 = arith.muli %and3A_82, %mul3A_83 : i32
        %shift_right_arithmetic3A_85 = arith.constant 2 : i32
        %shift_right_arithmetic3A_86 = arith.shrsi %shift_right_arithmetic3A_80, %shift_right_arithmetic3A_85 : i32
        %and3A_87 = arith.constant 3 : i32
        %and3A_88 = arith.andi %shift_right_arithmetic3A_80, %and3A_87 : i32
        %mul3A_89 = arith.constant 32 : i32
        %mul3A_90 = arith.muli %and3A_88, %mul3A_89 : i32
        %add3A_91 = arith.addi %mul3A_90, %mul3A_84 : i32
        %get3A_92 = arith.index_cast %shift_right_arithmetic3A_86 : i32 to index
        %get3A_93 = arith.index_cast %add3A_91 : i32 to index
        %get3A_94 = tpu.vector_load %arg5[%get3A_92, %get3A_93] {strides = array<i32>} : memref<32x128xf32, #tpu.memory_space<vmem>>, vector<16xf32>,
        %swap3A_95 = arith.index_cast %shift_right_arithmetic3A_80 : i32 to index
        %swap3A_96 = arith.index_cast %mul3A_84 : i32 to index
        %swap3A_97 = tpu.vector_load %arg6[%swap3A_95, %swap3A_96] {strides = array<i32>} : memref<128x32xf32, #tpu.memory_space<vmem>>, vector<16xf32>,
        tpu.vector_store %arg6[%swap3A_95, %swap3A_96], %get3A_94 {strides = array<i32>} : memref<128x32xf32, #tpu.memory_space<vmem>>, vector<16xf32>,
        %scan3A_98 = arith.constant 4 : i32
        %scan3A_99 = arith.addi %scan3A_19, %scan3A_98 : i32
        %shift_right_arithmetic3A_100 = arith.constant 1 : i32
        %shift_right_arithmetic3A_101 = arith.shrsi %scan3A_99, %shift_right_arithmetic3A_100 : i32
        %and3A_102 = arith.constant 1 : i32
        %and3A_103 = arith.andi %scan3A_99, %and3A_102 : i32
        %mul3A_104 = arith.constant 16 : i32
        %mul3A_105 = arith.muli %and3A_103, %mul3A_104 : i32
        %shift_right_arithmetic3A_106 = arith.constant 2 : i32
        %shift_right_arithmetic3A_107 = arith.shrsi %shift_right_arithmetic3A_101, %shift_right_arithmetic3A_106 : i32
        %and3A_108 = arith.constant 3 : i32
        %and3A_109 = arith.andi %shift_right_arithmetic3A_101, %and3A_108 : i32
        %mul3A_110 = arith.constant 32 : i32
        %mul3A_111 = arith.muli %and3A_109, %mul3A_110 : i32
        %add3A_112 = arith.addi %mul3A_111, %mul3A_105 : i32
        %get3A_113 = arith.index_cast %shift_right_arithmetic3A_107 : i32 to index
        %get3A_114 = arith.index_cast %add3A_112 : i32 to index
        %get3A_115 = tpu.vector_load %arg5[%get3A_113, %get3A_114] {strides = array<i32>} : memref<32x128xf32, #tpu.memory_space<vmem>>, vector<16xf32>,
        %swap3A_116 = arith.index_cast %shift_right_arithmetic3A_101 : i32 to index
        %swap3A_117 = arith.index_cast %mul3A_105 : i32 to index
        %swap3A_118 = tpu.vector_load %arg6[%swap3A_116, %swap3A_117] {strides = array<i32>} : memref<128x32xf32, #tpu.memory_space<vmem>>, vector<16xf32>,
        tpu.vector_store %arg6[%swap3A_116, %swap3A_117], %get3A_115 {strides = array<i32>} : memref<128x32xf32, #tpu.memory_space<vmem>>, vector<16xf32>,
        %scan3A_119 = arith.constant 5 : i32
        %scan3A_120 = arith.addi %scan3A_19, %scan3A_119 : i32
        %shift_right_arithmetic3A_121 = arith.constant 1 : i32
        %shift_right_arithmetic3A_122 = arith.shrsi %scan3A_120, %shift_right_arithmetic3A_121 : i32
        %and3A_123 = arith.constant 1 : i32
        %and3A_124 = arith.andi %scan3A_120, %and3A_123 : i32
        %mul3A_125 = arith.constant 16 : i32
        %mul3A_126 = arith.muli %and3A_124, %mul3A_125 : i32
        %shift_right_arithmetic3A_127 = arith.constant 2 : i32
        %shift_right_arithmetic3A_128 = arith.shrsi %shift_right_arithmetic3A_122, %shift_right_arithmetic3A_127 : i32
        %and3A_129 = arith.constant 3 : i32
        %and3A_130 = arith.andi %shift_right_arithmetic3A_122, %and3A_129 : i32
        %mul3A_131 = arith.constant 32 : i32
        %mul3A_132 = arith.muli %and3A_130, %mul3A_131 : i32
        %add3A_133 = arith.addi %mul3A_132, %mul3A_126 : i32
        %get3A_134 = arith.index_cast %shift_right_arithmetic3A_128 : i32 to index
        %get3A_135 = arith.index_cast %add3A_133 : i32 to index
        %get3A_136 = tpu.vector_load %arg5[%get3A_134, %get3A_135] {strides = array<i32>} : memref<32x128xf32, #tpu.memory_space<vmem>>, vector<16xf32>,
        %swap3A_137 = arith.index_cast %shift_right_arithmetic3A_122 : i32 to index
        %swap3A_138 = arith.index_cast %mul3A_126 : i32 to index
        %swap3A_139 = tpu.vector_load %arg6[%swap3A_137, %swap3A_138] {strides = array<i32>} : memref<128x32xf32, #tpu.memory_space<vmem>>, vector<16xf32>,
        tpu.vector_store %arg6[%swap3A_137, %swap3A_138], %get3A_136 {strides = array<i32>} : memref<128x32xf32, #tpu.memory_space<vmem>>, vector<16xf32>,
        %scan3A_140 = arith.constant 6 : i32
        %scan3A_141 = arith.addi %scan3A_19, %scan3A_140 : i32
        %shift_right_arithmetic3A_142 = arith.constant 1 : i32
        %shift_right_arithmetic3A_143 = arith.shrsi %scan3A_141, %shift_right_arithmetic3A_142 : i32
        %and3A_144 = arith.constant 1 : i32
        %and3A_145 = arith.andi %scan3A_141, %and3A_144 : i32
        %mul3A_146 = arith.constant 16 : i32
        %mul3A_147 = arith.muli %and3A_145, %mul3A_146 : i32
        %shift_right_arithmetic3A_148 = arith.constant 2 : i32
        %shift_right_arithmetic3A_149 = arith.shrsi %shift_right_arithmetic3A_143, %shift_right_arithmetic3A_148 : i32
        %and3A_150 = arith.constant 3 : i32
        %and3A_151 = arith.andi %shift_right_arithmetic3A_143, %and3A_150 : i32
        %mul3A_152 = arith.constant 32 : i32
        %mul3A_153 = arith.muli %and3A_151, %mul3A_152 : i32
        %add3A_154 = arith.addi %mul3A_153, %mul3A_147 : i32
        %get3A_155 = arith.index_cast %shift_right_arithmetic3A_149 : i32 to index
        %get3A_156 = arith.index_cast %add3A_154 : i32 to index
        %get3A_157 = tpu.vector_load %arg5[%get3A_155, %get3A_156] {strides = array<i32>} : memref<32x128xf32, #tpu.memory_space<vmem>>, vector<16xf32>,
        %swap3A_158 = arith.index_cast %shift_right_arithmetic3A_143 : i32 to index
        %swap3A_159 = arith.index_cast %mul3A_147 : i32 to index
        %swap3A_160 = tpu.vector_load %arg6[%swap3A_158, %swap3A_159] {strides = array<i32>} : memref<128x32xf32, #tpu.memory_space<vmem>>, vector<16xf32>,
        tpu.vector_store %arg6[%swap3A_158, %swap3A_159], %get3A_157 {strides = array<i32>} : memref<128x32xf32, #tpu.memory_space<vmem>>, vector<16xf32>,
        %scan3A_161 = arith.constant 7 : i32
        %scan3A_162 = arith.addi %scan3A_19, %scan3A_161 : i32
        %shift_right_arithmetic3A_163 = arith.constant 1 : i32
        %shift_right_arithmetic3A_164 = arith.shrsi %scan3A_162, %shift_right_arithmetic3A_163 : i32
        %and3A_165 = arith.constant 1 : i32
        %and3A_166 = arith.andi %scan3A_162, %and3A_165 : i32
        %mul3A_167 = arith.constant 16 : i32
        %mul3A_168 = arith.muli %and3A_166, %mul3A_167 : i32
        %shift_right_arithmetic3A_169 = arith.constant 2 : i32
        %shift_right_arithmetic3A_170 = arith.shrsi %shift_right_arithmetic3A_164, %shift_right_arithmetic3A_169 : i32
        %and3A_171 = arith.constant 3 : i32
        %and3A_172 = arith.andi %shift_right_arithmetic3A_164, %and3A_171 : i32
        %mul3A_173 = arith.constant 32 : i32
        %mul3A_174 = arith.muli %and3A_172, %mul3A_173 : i32
        %add3A_175 = arith.addi %mul3A_174, %mul3A_168 : i32
        %get3A_176 = arith.index_cast %shift_right_arithmetic3A_170 : i32 to index
        %get3A_177 = arith.index_cast %add3A_175 : i32 to index
        %get3A_178 = tpu.vector_load %arg5[%get3A_176, %get3A_177] {strides = array<i32>} : memref<32x128xf32, #tpu.memory_space<vmem>>, vector<16xf32>,
        %swap3A_179 = arith.index_cast %shift_right_arithmetic3A_164 : i32 to index
        %swap3A_180 = arith.index_cast %mul3A_168 : i32 to index
        %swap3A_181 = tpu.vector_load %arg6[%swap3A_179, %swap3A_180] {strides = array<i32>} : memref<128x32xf32, #tpu.memory_space<vmem>>, vector<16xf32>,
        tpu.vector_store %arg6[%swap3A_179, %swap3A_180], %get3A_178 {strides = array<i32>} : memref<128x32xf32, #tpu.memory_space<vmem>>, vector<16xf32>,
      }
      %scan3A_14 = arith.constant 256 : i32
      %dma_start3A = arith.constant 0 : i32
      %dma_start3A_15 = arith.constant 0 : i32
      %dma_start3A_16 = tpu.memref_slice %arg4[%dma_start3A, %dma_start3A_15] : memref<106496x32xf32, #tpu.memory_space<hbm>> -> memref<106496x32xf32, #tpu.memory_space<hbm>>
      tpu.enqueue_indirect_dma source(%arg6 : memref<128x32xf32, #tpu.memory_space<vmem>>) target(%dma_start3A_16 : memref<106496x32xf32, #tpu.memory_space<hbm>>) offsets(%arg7 : memref<128xi32, #tpu.memory_space<vmem>>) semaphore(%arg8 : memref<!tpu.dma_semaphore, #tpu.memory_space<semaphore_mem>>)
      %dma_wait3A = arith.constant 0 : i32
      %dma_wait3A_17 = arith.constant 0 : i32
      %dma_wait3A_18 = tpu.memref_slice %arg4[%dma_wait3A, %dma_wait3A_17] : memref<106496x32xf32, #tpu.memory_space<hbm>> -> memref<106496x32xf32, #tpu.memory_space<hbm>>
      tpu.wait_indirect_dma semaphore(%arg8 : memref<!tpu.dma_semaphore, #tpu.memory_space<semaphore_mem>>) src(%arg6 : memref<128x32xf32, #tpu.memory_space<vmem>>) dst(%dma_wait3A_18 : memref<106496x32xf32, #tpu.memory_space<hbm>>)
    }
    %scan3A_5 = arith.constant 26 : i32
    return
  }
}

</mosaic_0001>

<sc_bundles>
// kernel: kernel.4.cloned.1.call-start
scs
__scs_entry_jumppad:
0x0: {  	(pc) =	sbr.rel $0x88, $3  }
0x1: {  	(tag) =	ssettag $0x0;
	lr =	simm.s32 $0x1  }
0x2: {  	[smem:$0x3F9F] =	sst lr;
	_ =	strace $0xD0000000  }
0x3: {  	_ = 	snop  }
0x4: {  	_ = 	snop  }
0x5: {  	_ = 	snop  }
0x6: {  	_ = 	snop  }
0x7: {  	_ = 	snop  }
__scs_overlays_trampoline_lowered:
0x8: {  	[smem:$0x3FAE] =	sst s0  }
0x9: {  	[smem:$0x3FAF] =	sst s1  }
0xa: {  	[smem:$0x3FB0] =	sst s2  }
0xb: {  	[smem:$0x3FB1] =	sst s3  }
0xc: {  	[smem:$0x3FB2] =	sst s4  }
0xd: {  	[smem:$0x3FB3] =	sst s5  }
0xe: {  	[smem:$0x3FB4] =	sst s6  }
0xf: {  	[smem:$0x3FB5] =	sst s7  }
0x10: {  	[smem:$0x3FB6] =	sst s8  }
0x11: {  	[smem:$0x3FB7] =	sst s9;
	s0 =	simm.s32 @!p0 $0x0  }
0x12: {  	s1 =	sld [smem:$0x3F9D];
	s0 =	simm.s32 @p0 $0x1  }
0x13: {  	[smem:$0x3FB8] =	sst s0;
	s0 =	simm.s32 @!p1 $0x0  }
0x14: {  	s2 =	sld [smem:$0x3F9C];
	s0 =	simm.s32 @p1 $0x1  }
0x15: {  	[smem:$0x3FB9] =	sst s0;
	s0 =	simm.s32 @!p2 $0x0  }
0x16: {  	s3 =	sld [smem:$0x3FDB];
	s0 =	simm.s32 @p2 $0x1  }
0x17: {  	s4 =	simm.s32 $0x1BF5;
	[smem:$0x3FBB] =	sst s0  }
0x18: {  	s0 =	sld [smem:$0x3F9E];
	_ =	swait.ge [sflag:s4], $0x0  }
0x19: {  	s7 =	sld [smem:$0x3F9F]  }
0x1a: {  	s8 =	sadd.s32 $0xFFFFE003, lr  }
0x1b: {  	s9 =	sadd.s32 $0xFFFFFEF7, lr;
	s5 =	simm.s32 $0xFFFFFFFF;
	p2 =	slt.u32 s8, $0xFFFFF086  }
0x1c: {  	p1 =	slt.u32 s9, $0xF7A;
	s5 =	simm.s32 @!p2 $0x0  }
0x1d: {  	s5 =	simm.s32 @p1 $0x1;
	p0 =	seq.s32 s7, s2  }
0x1e: {  	s7 =	smul.u32 @!p0 $0xF7A, s2;
	p2 =	seq.s32 @!p0 s5, $0x0  }
0x1f: {  	s9 =	smul.u32 $0xF7A, s1;
	s8 =	simm.s32 @!p0 $0x1BF5;
	p2 =	por !p2, p0  }
0x20: {  	[sflag:s8] =	ssyncset.s32 @!p0 $0xFFFFF086;
	s6 =	sadd.s32 @!p0 s3, s7;
	s7 =	simm.s32 @!p0 $0x108  }
0x21: {  	s3 =	sadd.s32 s3, s9;
	s6 =	sadd.s32 @!p0 $0x88, s6;
	s7 =	simm.s32 @p2 $0x1082  }
0x22: {  	[simem:s7], [sflag:s8] =	dma.local @!p0 [hbm:s6], $0xF7A  }
0x23: {  	s9 =	sor.u32 $0xD0000000, s2;
	s6 =	simm.s32 $0x108;
	_ =	swait.ge @!p0 [sflag:s8], $0x0  }
0x24: {  	s3 =	sadd.s32 $0x88, s3;
	s6 =	simm.s32 @!p1 $0x1082;
	[sflag:s4] =	ssyncset.s32 $0xFFFFF086  }
0x25: {  	[simem:s6], [sflag:s4] =	dma.local [hbm:s3], $0xF7A  }
0x26: {  	[smem:$0x3F9F] =	sst s1;
	(tag) =	ssettag s2;
	_ =	strace s9  }
0x27: {  	s1 =	sld [smem:$0x3FAF]  }
0x28: {  	s2 =	sld [smem:$0x3FB0]  }
0x29: {  	s4 =	sld [smem:$0x3FB2]  }
0x2a: {  	p0 =	seq.s32 s5, $0x0;
	s5 =	sld [smem:$0x3FB3]  }
0x2b: {  	s6 =	sld [smem:$0x3FB4]  }
0x2c: {  	s7 =	sld [smem:$0x3FB5]  }
0x2d: {  	s3 =	simm.s32 $0x108;
	s8 =	sld [smem:$0x3FB6]  }
0x2e: {  	s3 =	simm.s32 @!p0 $0x1082;
	s9 =	sld [smem:$0x3FB7]  }
0x2f: {  	lr =	sadd.s32 s0, s3;
	s0 =	sld [smem:$0x3FAE]  }
0x30: {  	s3 =	sld [smem:$0x3FB1]  }
0x31: {  	[smem:$0x3FBA] =	sst s10  }
0x32: {  	s10 =	sld [smem:$0x3FB8];
	_ =	sdelay $0x3  }
0x33: {  	p0 =	seq.s32 s10, $0x1;
	s10 =	sld [smem:$0x3FBA];
	_ =	sdelay $0x3  }
0x34: {  	[smem:$0x3FBA] =	sst s10  }
0x35: {  	s10 =	sld [smem:$0x3FB9];
	_ =	sdelay $0x3  }
0x36: {  	p1 =	seq.s32 s10, $0x1;
	s10 =	sld [smem:$0x3FBA];
	_ =	sdelay $0x3  }
0x37: {  	[smem:$0x3FBA] =	sst s10  }
0x38: {  	s10 =	sld [smem:$0x3FBB]  }
0x39: {  	_ = 	snop;
	(pc) =	sbr.ind lr, $3  }
0x3a: {  	_ = 	snop  }
0x3b: {  	_ = 	snop  }
0x3c: {  	p2 =	seq.s32 s10, $0x1;
	s10 =	sld [smem:$0x3FBA]  }
0x3d: {  	_ =	shalt  }
0x3e: {  	_ =	shalt  }
0x3f: {  	_ =	shalt  }
0x40: {  	_ =	shalt  }
0x41: {  	_ =	shalt  }
0x42: {  	_ =	shalt  }
0x43: {  	_ =	shalt  }
0x44: {  	_ =	shalt  }
0x45: {  	_ =	shalt  }
0x46: {  	_ =	shalt  }
0x47: {  	_ =	shalt  }
0x48: {  	_ =	shalt  }
0x49: {  	_ =	shalt  }
0x4a: {  	_ =	shalt  }
0x4b: {  	_ =	shalt  }
0x4c: {  	_ =	shalt  }
0x4d: {  	_ =	shalt  }
0x4e: {  	_ =	shalt  }
0x4f: {  	_ =	shalt  }
0x50: {  	_ =	shalt  }
0x51: {  	_ =	shalt  }
0x52: {  	_ =	shalt  }
0x53: {  	_ =	shalt  }
0x54: {  	_ =	shalt  }
0x55: {  	_ =	shalt  }
0x56: {  	_ =	shalt  }
0x57: {  	_ =	shalt  }
0x58: {  	_ =	shalt  }
0x59: {  	_ =	shalt  }
0x5a: {  	_ =	shalt  }
0x5b: {  	_ =	shalt  }
0x5c: {  	_ =	shalt  }
0x5d: {  	_ =	shalt  }
0x5e: {  	_ =	shalt  }
0x5f: {  	_ =	shalt  }
0x60: {  	_ =	shalt  }
0x61: {  	_ =	shalt  }
0x62: {  	_ =	shalt  }
0x63: {  	_ =	shalt  }
0x64: {  	_ =	shalt  }
0x65: {  	_ =	shalt  }
0x66: {  	_ =	shalt  }
0x67: {  	_ =	shalt  }
0x68: {  	_ =	shalt  }
0x69: {  	_ =	shalt  }
0x6a: {  	_ =	shalt  }
0x6b: {  	_ =	shalt  }
0x6c: {  	_ =	shalt  }
0x6d: {  	_ =	shalt  }
0x6e: {  	_ =	shalt  }
0x6f: {  	_ =	shalt  }
0x70: {  	_ =	shalt  }
0x71: {  	_ =	shalt  }
0x72: {  	_ =	shalt  }
0x73: {  	_ =	shalt  }
0x74: {  	_ =	shalt  }
0x75: {  	_ =	shalt  }
0x76: {  	_ =	shalt  }
0x77: {  	_ =	shalt  }
0x78: {  	_ =	shalt  }
0x79: {  	_ =	shalt  }
0x7a: {  	_ =	shalt  }
0x7b: {  	_ =	shalt  }
0x7c: {  	_ =	shalt  }
0x7d: {  	_ =	shalt  }
0x7e: {  	_ =	shalt  }
0x7f: {  	_ =	shalt  }
0x80: {  	_ =	shalt  }
0x81: {  	_ =	shalt  }
0x82: {  	_ =	shalt  }
0x83: {  	_ =	shalt  }
0x84: {  	_ =	shalt  }
0x85: {  	_ =	shalt  }
0x86: {  	_ =	shalt  }
0x87: {  	_ =	shalt  }
.Lfunc_end0:
.L_simem_size_0:
called_computation_lowered:
.L_overlay_start_0:
0x88: {  	s2 =	sld [smem:$0x3FD9]  }
0x89: {  	s3 =	sld [smem:$0x3FFE];
	_ =	sdelay $0x1  }
0x8a: {  	s1 =	srdreg.scid  }
0x8b: {  	s0 =	sand.u32 $0x1, s1  }
0x8c: {  	s17 =	sshll.u32 s0, $0xA;
	s2 =	sadd.s32 s3, s2  }
0x8d: {  	s2 =	sadd.s32 s2, s17  }
0x8e: {  	[smem:$0x3FC6] =	sst s2  }
0x8f: {  	_ = 	snop  }
0x90: {  	s2 =	sld [smem:$0x3FC8]  }
0x91: {  	s18 =	sld [smem:$0x3FD0];
	(tm) =	ssettm $0x1  }
0x92: {  	s4 =	sld [smem:$0x3FFB];
	_ =	sdelay $0x3  }
0x93: {  	_ =	strace s4  }
0x94: {  	s4 =	sld [smem:$0x3FFC];
	_ =	sdelay $0x3  }
0x95: {  	_ =	strace s4  }
0x96: {  	s4 =	sld [smem:$0x3FFD];
	_ =	sdelay $0x3  }
0x97: {  	_ =	strace s4  }
0x98: {  	_ =	strace $0x8FFFFFFF  }
0x99: {  	s19 =	sld [smem:$0x3FDB];
	_ =	sdelay $0x1  }
0x9a: {  	s5 =	simm.s32 $_scs_section_size  }
0x9b: {  	s6 =	simm.s32 $_size__tile_overlayer_lowered;
	s7 =	simm.s32 $_tile_overlayer_lowered  }
0x9c: {  	s22 =	simm.s32 $0x1BFF;
	s21 =	sshll.u32 s7, $0x1;
	s4 =	sadd.s32 s5, s19  }
0x9d: {  	s8 =	simm.s32 $0x0;
	s20 =	sshll.u32 s6, $0x1;
	s6 =	sadd.s32 s21, s4  }
0x9e: {  	[timem:s8], [sflag:s22] =	dma.local [hbm:s6], s20  }
0x9f: {  	_ =	swait.ge [sflag:s22], s20  }
0xa0: {  	s5 =	ssub.s32 $0x0, s20;
	[sflag:s22] =	ssyncset.done $0x0  }
0xa1: {  	[sflag:s22] =	ssyncadd.s32 s5;
	_ =	sdelay $0x1  }
0xa2: {  	s23 =	simm.s32 $0x1B8B  }
0xa3: {  	_ =	swait.ge [sflag:s23], $0x1  }
0xa4: {  	[sflag:s23] =	ssyncset.done $0x0  }
0xa5: {  	s25 =	simm.s32 $0x1B8E;
	s24 =	sld [smem:$0x3FFE];
	[sflag:s23] =	ssyncadd.s32 $0xFFFFFFFF  }
0xa6: {  	s26 =	simm.s32 $execute0_lowered;
	[smem:$0x3FD2] =	sst s25  }
0xa7: {  	s6 =	sshll.u32 s26, $0x1;
	_ =	strace $0x80000046;
	[dreg:$0x1] =	wrdreg $0xFFFFFFFF  }
0xa8: {  	s28 =	simm.s32 $_size_execute0_lowered;
	s4 =	sadd.s32 s4, s6;
	[dreg:$0x0] =	wrdreg $0x0  }
0xa9: {  	s6 =	sshll.u32 s28, $0x1;
	[dreg:$0x2] =	wrdreg s4  }
0xaa: {  	[dreg:$0x3] =	wrdreg s6  }
0xab: {  	[dreg:$0x4] =	wrdreg $0xC0  }
0xac: {  	_ =	task [dreg:s8], $0x5FFFF  }
0xad: {  	[dreg:$0x1] =	wrdreg $0xFFFFFFFF  }
0xae: {  	[dreg:$0x0] =	wrdreg $0x60  }
0xaf: {  	[dreg:$0x2] =	wrdreg s2  }
0xb0: {  	[dreg:$0x3] =	wrdreg s18  }
0xb1: {  	[dreg:$0x4] =	wrdreg s24  }
0xb2: {  	[dreg:$0x5] =	wrdreg $0x9  }
0xb3: {  	_ =	task.clear_ibuf [dreg:s8], $0x6FFFF;
	_ =	strace $0x90000046  }
0xb4: {  	s29 =	simm.s32 $0x9;
	_ =	strace $0x80000048  }
0xb5: {  	_ =	swait.ge [sflag:s29], $0x1  }
0xb6: {  	[sflag:s29] =	ssyncadd.s32 $0xFFFFFFFF  }
0xb7: {  	_ =	strace $0x90000048  }
0xb8: {  	_ =	sfence  }
0xb9: {  	s30 =	sld [smem:$0x0];
	_ =	sdelay $0x2  }
0xba: {  	s31 =	sshll.u32 s1, $0xD;
	s1 =	sshrl.u32 s1, $0x2  }
0xbb: {  	s3 =	sand.u32 $0x4000, s31;
	s1 =	sadd.s32 s1, s30  }
0xbc: {  	s0 =	sor.u32 s3, s0;
	s1 =	sshll.u32 s1, $0x11  }
0xbd: {  	s0 =	sor.u32 s1, s0  }
0xbe: {  	s0 =	sadd.s32 $0x8F2B, s0  }
0xbf: {  	[sflag:s0] =	ssyncadd.remote.s32 $0x1  }
0xc0: {  	_ =	sfence.sel $0xFFFF  }
0xc1: {  	[dreg:$0x0] =	wrdreg $0xFFFFFFFF;
	(pc) =	sbr.abs _section_cstart, $3  }
0xc2: {  	[dreg:$0x1] =	wrdreg $0xFFFFFFFF  }
0xc3: {  	_ =	task.clear_ibuf [dreg:s8], $0x2FFFF;
	_ =	strace $0x9FFFFFFF  }
0xc4: {  	(tm) =	ssettm $0x7FFFFFFF  }
0xc5: {  	_ =	shalt  }
tec
execute0_lowered:
.L_overlay_start_1:
0x0: {  	(tag) =	ssettag $0x1  }
0x1: {  	v0 =	vlaneseq.u32  }
0x2: {  	v1 =	vimm.s32 $0xFFFFFFFF;
	v9 =	vimm.s32 $0x80;
	v10 =	vimm.s32 $0x2B80  }
0x3: {  	s0 =	rddreg [dreg:$0x0];
	vm0 =	vcmask $0x300;
	v11 =	vimm.s32 $0x7B80;
	vm1 =	vcmask $0x704  }
0x4: {  	s1 =	rddreg [dreg:$0x1];
	vm2 =	vcmask $0x3B38;
	v2 =	vor.u32 $0x10, v0;
	v3 =	vor.u32 $0x20, v0  }
0x5: {  	s9 =	rddreg [dreg:$0x2];
	v4 =	vor.u32 $0x30, v0;
	v5 =	vor.u32 $0x40, v0;
	v6 =	vor.u32 $0x50, v0  }
0x6: {  	s2 =	srdreg.scid;
	s8 =	stileid.u32;
	v7 =	vor.u32 $0x60, v0;
	v10 =	vsel vm0, $0x0, v10;
	v11 =	vsel vm0, $0x5000, v11  }
0x7: {  	s4 =	simm.s32 $0x0;
	s14 =	simm.s32 $0x2;
	s20 =	simm.s32 $0x4180;
	vm0 =	vcmask $0xB08;
	v10 =	vsel vm1, $0x80, v10;
	v11 =	vsel vm1, $0x5080, v11  }
0x8: {  	s21 =	simm.s32 $0x4280;
	s22 =	simm.s32 $0x4380;
	s23 =	simm.s32 $0x6B80;
	vm1 =	vcmask $0xF0C;
	v10 =	vsel vm0, $0x100, v10;
	v11 =	vsel vm0, $0x5100, v11  }
0x9: {  	s28 =	simm.s32 $0x18380;
	s2 =	sand.u32 $0x1, s2;
	s3 =	sshll.u32 s8, $0x1;
	vm0 =	vcmask $0x1310;
	v10 =	vsel vm1, $0x180, v10;
	v11 =	vsel vm1, $0x5180, v11  }
0xa: {  	[smem:$0x7FF] =	sst s4;
	s8 =	sshll.u32 s8, $0x5;
	s3 =	sor.u32 s2, s3;
	vm1 =	vcmask $0x1714;
	v10 =	vsel vm0, $0x200, v10;
	v11 =	vsel vm0, $0x5200, v11  }
0xb: {  	_ =	strace $0x80000047;
	s8 =	sand.u32 $0x180, s8;
	s2 =	ssub.s32 $0x2, s2;
	vm0 =	vcmask $0x1B18;
	v10 =	vsel vm1, $0x280, v10;
	v11 =	vsel vm1, $0x5280, v11  }
0xc: {  	s5 =	sshll.u32 s3, $0x7;
	s7 =	sshll.u32 s3, $0x9;
	s8 =	sadd.s32 s8, s9;
	vm1 =	vcmask $0x1F1C;
	v10 =	vsel vm0, $0x300, v10;
	v11 =	vsel vm0, $0x5300, v11  }
0xd: {  	s24 =	sshrl.u32 s2, $0x1;
	s3 =	sshll.u32 s3, $0x4;
	s6 =	sadd.s32 s5, s9;
	vm0 =	vcmask $0x2320;
	v10 =	vsel vm1, $0x380, v10;
	v11 =	vsel vm1, $0x5380, v11  }
0xe: {  	s7 =	sadd.s32 s7, s9;
	s2 =	ssub.s32 s2, s24;
	s5 =	sadd.s32 s1, s5;
	vm1 =	vcmask $0x2724;
	v10 =	vsel vm0, $0x2800, v10;
	v11 =	vsel vm0, $0x7800, v11  }
0xf: {  	s25 =	sand.u32 $0x70, s3;
	s24 =	simm.s32 $0x9380;
	[dreg:$0x4] =	wrdreg s5;
	vm0 =	vcmask $0x2B28;
	v10 =	vsel vm1, $0x2880, v10;
	v11 =	vsel vm1, $0x7880, v11  }
.Ltmp0:
0x10: {  	s26 =	sadd.s32 $0x3000, s5;
	s29 =	sadd.s32 $0x400, s6;
	vm1 =	vcmask $0x2F2C;
	v10 =	vsel vm0, $0x2900, v10;
	v11 =	vsel vm0, $0x7900, v11;
	(pc) =	sbr.rel .LBB2_1-.Ltmp0, $4  }
0x11: {  	s1 =	sadd.s32 s25, s8;
	s30 =	smax.u32 s2, $0x1;
	[dreg:$0x5] =	wrdreg s26;
	vm0 =	vcmask $0x3330;
	v10 =	vsel vm1, $0x2980, v10;
	v11 =	vsel vm1, $0x7980, v11  }
0x12: {  	s9 =	sadd.s32 $0x4400, s7;
	s25 =	simm.s32 $0xBB80;
	[dreg:$0x7] =	wrdreg s30;
	vm1 =	vcmask $0x3734;
	v10 =	vsel vm0, $0x2A00, v10;
	v11 =	vsel vm0, $0x7A00, v11  }
0x13: {  	v8 =	vor.u32 $0x70, v0;
	s2 =	simm.s32 $0x0;
	[dreg:$0x6] =	wrdreg s29;
	s31 =	sadd.s32 $0x3000, s29;
	v10 =	vsel vm1, $0x2A80, v10;
	v11 =	vsel vm1, $0x7A80, v11  }
0x14: {  	s8 =	sadd.s32 $0x6C400, s1;
	s26 =	simm.s32 $0x1;
	[dreg:$0x8] =	wrdreg s31;
	vm0 =	vmmov $0x1;
	v10 =	vsel vm2, $0x2B00, v10;
	v11 =	vsel vm2, $0x7B00, v11  }
.LBB2_4:
0x15: {  	s2 =	rddreg [dreg:$0x9]  }
0x16: {  	s1 =	rddreg [dreg:$0x7];
	s2 =	sadd.s32 $0x1, s2  }
0x17: {  	p0 =	sne.s32 s2, s1  }
.Ltmp1:
0x18: {  	_ = 	snop;
	(pc) =	sbr.rel @!p0 .LBB2_5-.Ltmp1, $1  }
0x19: {  	_ =	sdelay $0x3  }
.LBB2_1:
0x1a: {  	[dreg:$0x9] =	wrdreg s2  }
0x1b: {  	s1 =	rddreg [dreg:$0x4];
	s13 =	simm.s32 $0x400;
	s3 =	simm.s32 $0x8000  }
0x1c: {  	[tilespmem:s4], [sflag:$0x2] =	stream.strided.gather [hbm4b:s1+s13], $0xC00, s3, s13, $0x38;
	[tilespmem:$0x19380] =	vst v63  }
0x1d: {  	s15 =	rddreg [dreg:$0x5];
	s5 =	simm.s32 $0xC00  }
0x1e: {  	[tilespmem:s5], [sflag:$0x2] =	stream.linear.gather [hbm4b:s15+s4], $0x100, $0x38;
	[tilespmem:$0x19380] =	vst v63  }
0x1f: {  	_ =	swait.ge [sflag:s14], $0xD00  }
0x20: {  	[sflag:s14] =	ssyncset.done $0x0  }
0x21: {  	s17 =	simm.s32 $0x1000;
	s16 =	rddreg [dreg:$0x6];
	[sflag:s14] =	ssyncadd.s32 $0xFFFFF300  }
0x22: {  	[tilespmem:s17], [sflag:$0x2] =	stream.strided.gather [hbm4b:s16+s13], $0xC00, s3, s13, $0x38;
	[tilespmem:$0x19380] =	vst v63  }
0x23: {  	s19 =	simm.s32 $0x1C00;
	s18 =	rddreg [dreg:$0x8]  }
0x24: {  	[tilespmem:s19], [sflag:$0x2] =	stream.linear.gather [hbm4b:s18+s4], $0x100, $0x38;
	[tilespmem:$0x19380] =	vst v63  }
0x25: {  	_ =	swait.ge [sflag:s14], $0xD00  }
0x26: {  	[sflag:s14] =	ssyncset.done $0x0  }
0x27: {  	[sflag:s14] =	ssyncadd.s32 $0xFFFFF300  }
.Ltmp2:
0x28: {  	s31 =	simm.s32 $0x2000;
	s29 =	rddreg [dreg:$0x2];
	(pc) =	sbr.rel .LBB2_2-.Ltmp2, $4  }
0x29: {  	[tilespmem:s31], [sflag:$0x2] =	stream.linear.gather [hbm4b:s29+s4], $0x2000, $0x38;
	[tilespmem:$0x19380] =	vst v63  }
0x2a: {  	_ =	swait.ge [sflag:s14], $0x2000  }
0x2b: {  	[sflag:s14] =	ssyncset.done $0x0  }
0x2c: {  	s30 =	simm.s32 $0x0;
	[sflag:s14] =	ssyncadd.s32 $0xFFFFE000  }
.LBB2_3:
0x2d: {  	s1 =	sshll.u32 s30, $0xE;
	s30 =	sadd.s32 $0x1, s30  }
0x2e: {  	p0 =	sne.s32 s30, $0x1A  }
.Ltmp3:
0x2f: {  	s1 =	sadd.s32 s1, s9;
	(pc) =	sbr.rel @!p0 .LBB2_4-.Ltmp3, $4  }
0x30: {  	[hbm4b:s1+s4] =	stream.linear.scatter [tilespmem:s28], [sflag:$0x2], $0x1000, $0x38;
	[tilespmem:$0x19380] =	vst v63  }
0x31: {  	_ =	swait.ge [sflag:s14], $0x1000  }
0x32: {  	[sflag:s14] =	ssyncset.done $0x0  }
0x33: {  	[sflag:s14] =	ssyncadd.s32 $0xFFFFF000  }
.LBB2_2:
0x34: {  	s1 =	sshll.u32 s30, $0x9  }
0x35: {  	s31 =	sshrl.u32 s1, $0x2  }
0x36: {  	v12 =	vld [tilespmem:s31+$0x1000];
	_ =	sdelay $0x4  }
0x37: {  	v12 =	vmul.u32 $0x1A, v12;
	_ =	sdelay $0x1  }
0x38: {  	v12 =	vadd.s32 s30, v12  }
0x39: {  	[tilespmem:$0x4000] =	vst v12  }
0x3a: {  	v12 =	vld [tilespmem:s31+$0x1010];
	_ =	sdelay $0x4  }
0x3b: {  	v12 =	vmul.u32 $0x1A, v12;
	_ =	sdelay $0x1  }
0x3c: {  	v12 =	vadd.s32 s30, v12  }
0x3d: {  	[tilespmem:$0x4010] =	vst v12  }
0x3e: {  	v12 =	vld [tilespmem:s31+$0x1020];
	_ =	sdelay $0x4  }
0x3f: {  	v12 =	vmul.u32 $0x1A, v12;
	_ =	sdelay $0x1  }
0x40: {  	v12 =	vadd.s32 s30, v12  }
0x41: {  	[tilespmem:$0x4020] =	vst v12  }
0x42: {  	v12 =	vld [tilespmem:s31+$0x1030];
	_ =	sdelay $0x4  }
0x43: {  	v12 =	vmul.u32 $0x1A, v12;
	_ =	sdelay $0x1  }
0x44: {  	v12 =	vadd.s32 s30, v12  }
0x45: {  	[tilespmem:$0x4030] =	vst v12  }
0x46: {  	v12 =	vld [tilespmem:s31+$0x1040];
	_ =	sdelay $0x4  }
0x47: {  	v12 =	vmul.u32 $0x1A, v12;
	_ =	sdelay $0x1  }
0x48: {  	v12 =	vadd.s32 s30, v12  }
0x49: {  	[tilespmem:$0x4040] =	vst v12  }
0x4a: {  	v12 =	vld [tilespmem:s31+$0x1050];
	_ =	sdelay $0x4  }
0x4b: {  	v12 =	vmul.u32 $0x1A, v12;
	_ =	sdelay $0x1  }
0x4c: {  	v12 =	vadd.s32 s30, v12  }
0x4d: {  	[tilespmem:$0x4050] =	vst v12  }
0x4e: {  	v12 =	vld [tilespmem:s31+$0x1060];
	_ =	sdelay $0x4  }
0x4f: {  	v12 =	vmul.u32 $0x1A, v12;
	_ =	sdelay $0x1  }
0x50: {  	v12 =	vadd.s32 s30, v12  }
0x51: {  	[tilespmem:$0x4060] =	vst v12  }
0x52: {  	v12 =	vld [tilespmem:s31+$0x1070];
	_ =	sdelay $0x4  }
0x53: {  	v12 =	vmul.u32 $0x1A, v12;
	_ =	sdelay $0x1  }
0x54: {  	v12 =	vadd.s32 s30, v12  }
0x55: {  	s3 =	simm.s32 $0x4000;
	s2 =	sadd.s32 s1, s8;
	s1 =	simm.s32 $0x0;
	[tilespmem:$0x4070] =	vst v12  }
0x56: {  	[hbm4b:s2+s1] =	stream.linear.scatter [tilespmem:s3], [sflag:$0x2], $0x80, $0x38;
	[tilespmem:$0x19380] =	vst v63  }
0x57: {  	_ =	swait.ge [sflag:s14], $0x80  }
0x58: {  	[sflag:s14] =	ssyncset.done $0x0  }
0x59: {  	[sflag:s14] =	ssyncadd.s32 $0xFFFFFF80  }
0x5a: {  	v51 =	vld [tilespmem:s31+$0x0];
	_ =	sdelay $0x4  }
0x5b: {  	(v2sf) =	vpush v51, $0x0;
	_ =	sdelay $0xc  }
0x5c: {  	[tilespmem:$0x4080] =	vst v1  }
0x5d: {  	s3 =	smul.u32 $0x186A0, s30;
	v52 =	vld [tilespmem:s31+$0x0]  }
0x5e: {  	s7 =	spop (v2sf)  }
0x5f: {  	s2 =	sadd.s32 s3, s7  }
0x60: {  	s2 =	sand.u32 $0xFFFFFC00, s2  }
0x61: {  	s5 =	ssub.s32 s3, s2  }
0x62: {  	v12 =	vadd.s32 s5, v52  }
0x63: {  	v12 =	vshrl.u32 v12, $0xA  }
0x64: {  	[tilespmem:$0x4081] =	vst v12  }
0x65: {  	v13 =	vld [tilespmem:s31+$0x10];
	_ =	sdelay $0x4  }
0x66: {  	v13 =	vadd.s32 s5, v13  }
0x67: {  	v13 =	vshrl.u32 v13, $0xA  }
0x68: {  	[tilespmem:$0x4091] =	vst v13  }
0x69: {  	v13 =	vld [tilespmem:s31+$0x20];
	_ =	sdelay $0x4  }
0x6a: {  	v13 =	vadd.s32 s5, v13  }
0x6b: {  	v13 =	vshrl.u32 v13, $0xA  }
0x6c: {  	[tilespmem:$0x40A1] =	vst v13  }
0x6d: {  	v13 =	vld [tilespmem:s31+$0x30];
	_ =	sdelay $0x4  }
0x6e: {  	v13 =	vadd.s32 s5, v13  }
0x6f: {  	v13 =	vshrl.u32 v13, $0xA  }
0x70: {  	[tilespmem:$0x40B1] =	vst v13  }
0x71: {  	v13 =	vld [tilespmem:s31+$0x40];
	_ =	sdelay $0x4  }
0x72: {  	v13 =	vadd.s32 s5, v13  }
0x73: {  	v13 =	vshrl.u32 v13, $0xA  }
0x74: {  	[tilespmem:$0x40C1] =	vst v13  }
0x75: {  	v13 =	vld [tilespmem:s31+$0x50];
	_ =	sdelay $0x4  }
0x76: {  	v13 =	vadd.s32 s5, v13  }
0x77: {  	v13 =	vshrl.u32 v13, $0xA  }
0x78: {  	[tilespmem:$0x40D1] =	vst v13  }
0x79: {  	v13 =	vld [tilespmem:s31+$0x60];
	_ =	sdelay $0x4  }
0x7a: {  	v13 =	vadd.s32 s5, v13  }
0x7b: {  	v13 =	vshrl.u32 v13, $0xA  }
0x7c: {  	[tilespmem:$0x40E1] =	vst v13  }
0x7d: {  	v13 =	vld [tilespmem:s31+$0x70];
	_ =	sdelay $0x1  }
0x7e: {  	v14 =	vld [tilespmem:$0x4080];
	_ =	sdelay $0x2  }
0x7f: {  	v13 =	vadd.s32 s5, v13  }
0x80: {  	v13 =	vshrl.u32 v13, $0xA  }
0x81: {  	vm1 =	vne.s32 v12, v14;
	[tilespmem:$0x40F1] =	vst v13  }
0x82: {  	[tilespmem:s20+$0x0] =	vst.msk vm1, v12  }
0x83: {  	v53 =	vmpcnt.ones.xlane vm1;
	[tilespmem:s21+$0x0] =	vst.msk vm1, v0  }
0x84: {  	v54 =	vld [tilespmem:$0x4090]  }
0x85: {  	(v2sf) =	vpush v53, $0x0;
	v55 =	vld [tilespmem:$0x4091];
	_ =	sdelay $0x4  }
0x86: {  	vm1 =	vne.s32 v55, v54  }
0x87: {  	v13 =	vmpcnt.ones.xlane vm1;
	_ =	sdelay $0x1  }
0x88: {  	(v2sf) =	vpush v13, $0x0;
	_ =	sdelay $0x6  }
0x89: {  	s10 =	spop (v2sf)  }
0x8a: {  	[tilespmem:s10+$0x4180] =	vst.msk vm1, v55  }
0x8b: {  	[tilespmem:s10+$0x4280] =	vst.msk vm1, v2  }
0x8c: {  	v12 =	vld [tilespmem:$0x40A0]  }
0x8d: {  	v56 =	vld [tilespmem:$0x40A1];
	_ =	sdelay $0x3  }
0x8e: {  	s6 =	spop (v2sf)  }
0x8f: {  	vm1 =	vne.s32 v56, v12;
	s5 =	sadd.s32 s10, s6  }
0x90: {  	v12 =	vmpcnt.ones.xlane vm1;
	[tilespmem:s5+$0x4180] =	vst.msk vm1, v56  }
0x91: {  	[tilespmem:s5+$0x4280] =	vst.msk vm1, v3  }
0x92: {  	(v2sf) =	vpush v12, $0x0;
	v57 =	vld [tilespmem:$0x40B0]  }
0x93: {  	v13 =	vld [tilespmem:$0x40B1];
	_ =	sdelay $0x4  }
0x94: {  	vm1 =	vne.s32 v13, v57  }
0x95: {  	v12 =	vmpcnt.ones.xlane vm1;
	_ =	sdelay $0x1  }
0x96: {  	(v2sf) =	vpush v12, $0x0;
	_ =	sdelay $0x5  }
0x97: {  	s11 =	spop (v2sf)  }
0x98: {  	s5 =	sadd.s32 s5, s11  }
0x99: {  	[tilespmem:s5+$0x4180] =	vst.msk vm1, v13  }
0x9a: {  	[tilespmem:s5+$0x4280] =	vst.msk vm1, v4  }
0x9b: {  	v58 =	vld [tilespmem:$0x40C0]  }
0x9c: {  	v13 =	vld [tilespmem:$0x40C1];
	_ =	sdelay $0x3  }
0x9d: {  	s12 =	spop (v2sf)  }
0x9e: {  	vm1 =	vne.s32 v13, v58;
	s5 =	sadd.s32 s5, s12  }
0x9f: {  	v12 =	vmpcnt.ones.xlane vm1;
	[tilespmem:s5+$0x4180] =	vst.msk vm1, v13  }
0xa0: {  	[tilespmem:s5+$0x4280] =	vst.msk vm1, v5  }
0xa1: {  	(v2sf) =	vpush v12, $0x0;
	v59 =	vld [tilespmem:$0x40D0]  }
0xa2: {  	v13 =	vld [tilespmem:$0x40D1];
	_ =	sdelay $0x4  }
0xa3: {  	vm1 =	vne.s32 v13, v59  }
0xa4: {  	v12 =	vmpcnt.ones.xlane vm1;
	_ =	sdelay $0x1  }
0xa5: {  	(v2sf) =	vpush v12, $0x0;
	_ =	sdelay $0x5  }
0xa6: {  	s13 =	spop (v2sf)  }
0xa7: {  	s5 =	sadd.s32 s5, s13  }
0xa8: {  	[tilespmem:s5+$0x4180] =	vst.msk vm1, v13  }
0xa9: {  	[tilespmem:s5+$0x4280] =	vst.msk vm1, v6  }
0xaa: {  	v60 =	vld [tilespmem:$0x40E0]  }
0xab: {  	v13 =	vld [tilespmem:$0x40E1];
	_ =	sdelay $0x3  }
0xac: {  	s15 =	spop (v2sf)  }
0xad: {  	vm1 =	vne.s32 v13, v60;
	s5 =	sadd.s32 s5, s15  }
0xae: {  	[tilespmem:s5+$0x4180] =	vst.msk vm1, v13  }
0xaf: {  	[tilespmem:s5+$0x4280] =	vst.msk vm1, v7  }
0xb0: {  	v61 =	vld [tilespmem:$0x40F0]  }
0xb1: {  	v13 =	vld [tilespmem:$0x40F1];
	_ =	sdelay $0x3  }
0xb2: {  	v62 =	vmpcnt.ones.xlane vm1  }
0xb3: {  	vm1 =	vne.s32 v13, v61  }
0xb4: {  	(v2sf) =	vpush v62, $0x0;
	v12 =	vmpcnt.ones.xlane vm1;
	_ =	sdelay $0x1  }
0xb5: {  	(v2sf) =	vpush v12, $0x0;
	_ =	sdelay $0xc  }
0xb6: {  	s16 =	spop (v2sf)  }
0xb7: {  	s5 =	sadd.s32 s5, s16  }
0xb8: {  	[tilespmem:s5+$0x4180] =	vst.msk vm1, v13;
	s17 =	spop (v2sf)  }
0xb9: {  	[tilespmem:s5+$0x4280] =	vst.msk vm1, v8;
	s13 =	sadd.s32 s5, s17  }
0xba: {  	[tilespmem:s13+$0x4280] =	vst v9  }
0xbb: {  	v63 =	vld [tilespmem:$0x4180];
	_ =	sdelay $0x4  }
0xbc: {  	v12 =	vnsel vm0, $0x0, v63  }
0xbd: {  	(xrf0) =	vadd.scan.msk.s32 $0xffff, v12;
	_ =	sdelay $0x5  }
0xbe: {  	v12, _, _ =	vpop (xrf0)  }
0xbf: {  	(v2sf) =	vpush v12, $0xF;
	_ =	sdelay $0xe  }
0xc0: {  	s18 =	spop (v2sf)  }
0xc1: {  	s5 =	sshll.u32 s18, $0xA  }
0xc2: {  	s5 =	sadd.s32 s2, s5  }
0xc3: {  	p0 =	slt.s32 s5, $0x27A780  }
0xc4: {  	s5 =	simm.s32 @!p0 $0x27A780  }
0xc5: {  	s5 =	sadd.s32 s0, s5  }
0xc6: {  	[tilespmem:s22], [sflag:$0x1] =	stream.linear.gather [hbm4b:s5+s1], $0x2400, $0x38;
	[tilespmem:$0x19380] =	vst v63  }
0xc7: {  	p0 =	sgt.s32 s13, $0x0;
	s19 =	sadd.s32 $0x27AC80, s5  }
0xc8: {  	[tilespmem:s23], [sflag:$0x1] =	stream.linear.gather [hbm4b:s19+s1], $0x2400, $0x38;
	[tilespmem:$0x19380] =	vst v63  }
.Ltmp4:
0xc9: {  	_ = 	snop;
	(pc) =	sbr.rel @p0 .LBB2_7-.Ltmp4, $4  }
.Ltmp5:
0xca: {  	s29 =	sadd.s32 $0x4F5900, s5;
	(pc) =	sbr.rel @!p0 .LBB2_3-.Ltmp5, $4  }
0xcb: {  	[tilespmem:s24], [sflag:$0x1] =	stream.linear.gather [hbm4b:s29+s1], $0x2400, $0x38;
	[tilespmem:$0x19380] =	vst v63  }
0xcc: {  	s5 =	sadd.s32 $0x770580, s5  }
0xcd: {  	[tilespmem:s25], [sflag:$0x1] =	stream.linear.gather [hbm4b:s5+s1], $0x2400, $0x38;
	[tilespmem:$0x19380] =	vst v63  }
0xce: {  	_ = 	snop  }
.LBB2_9:
0xcf: {  	s15 =	smov.u32 s12  }
.LBB2_14:
0xd0: {  	s6 =	sadd.s32 s7, s16;
	[tilespmem:s29+$0x10] =	vst @p0 v12  }
0xd1: {  	v12 =	vld [tilespmem:s6+$0x0];
	_ =	sdelay $0x1  }
0xd2: {  	s5 =	sand.u32 $0xF, s5  }
0xd3: {  	v13 =	vmov s5  }
0xd4: {  	vm1 =	veq.s32 v13, v0  }
0xd5: {  	v12 =	vnsel vm1, $0x0, v12  }
0xd6: {  	(xrf0) =	vadd.scan.msk.s32 $0xffff, v12;
	_ =	sdelay $0x5  }
0xd7: {  	v12, _, _ =	vpop (xrf0)  }
0xd8: {  	(v2sf) =	vpush v12, $0xF;
	_ =	sdelay $0xe  }
0xd9: {  	s16 =	spop (v2sf)  }
0xda: {  	s5 =	sadd.s32 s3, s16  }
0xdb: {  	s18 =	ssub.s32 s5, s18  }
0xdc: {  	v62 =	vmov s18  }
0xdd: {  	v63 =	vshll.u32 v62, $0x3  }
0xde: {  	s6 =	sadd.s32 $0xFFD85400, s5;
	v12 =	vand.u32 $0x7F, v62;
	v13 =	vand.u32 $0xFFFFFC00, v63  }
0xdf: {  	p1 =	sgt.s32 s6, $0x0;
	v12 =	vor.u32 v12, v13  }
0xe0: {  	s6 =	simm.s32 @!p1 $0x0;
	v13 =	vadd.s32 v10, v12  }
0xe1: {  	s6 =	smin.u32 s6, $0x3F;
	v12 =	vadd.s32 v11, v12  }
0xe2: {  	s6 =	sshll.u32 s6, $0x7  }
0xe3: {  	v14 =	vld [tilespmem:s6+$0x2000]  }
0xe4: {  	v15 =	vld [tilespmem:s6+$0x2010]  }
0xe5: {  	v13 =	vld.idx.msk [tilespmem:v13+s17+$0x0], $0xffff  }
0xe6: {  	v12 =	vld.idx.msk [tilespmem:v12+s17+$0x0], $0xffff;
	_ =	sdelay $0x1  }
0xe7: {  	s6 =	sadd.s32 @p0 $0x20, s15  }
0xe8: {  	p6 =	slt.s32 s5, $0x27AC00;
	s12 =	smov.u32 @p0 s6  }
0xe9: {  	s19 =	sand.u32 $0xFFFFFFE0, s12;
	v13 =	vpsel p6, v13, v14  }
0xea: {  	s29 =	sadd.s32 $0x18380, s19;
	v12 =	vpsel p6, v12, v15;
	[tilespmem:s19+$0x18380] =	vst v13  }
0xeb: {  	[tilespmem:s29+$0x10] =	vst v12  }
.LBB2_6:
0xec: {  	p0 =	sge.s32 s1, s13  }
.Ltmp6:
0xed: {  	_ = 	snop;
	(pc) =	sbr.rel @p0 .LBB2_3-.Ltmp6, $1  }
0xee: {  	_ =	sdelay $0x3  }
.LBB2_7:
0xef: {  	s10 =	smov.u32 s1;
	_ =	swait.ge [sflag:s26], $0x9000;
	s1 =	sadd.s32 $0x1, s1  }
0xf0: {  	[sflag:s26] =	ssyncset.done $0x0;
	p0 =	slt.s32 s1, s13  }
0xf1: {  	[sflag:s26] =	ssyncadd.s32 $0xFFFF7000;
	s5 =	sand.u32 @p0 $0x7FFFFFF0, s1  }
0xf2: {  	v12 =	vld @p0 [tilespmem:s5+$0x4180];
	_ =	sdelay $0x1  }
0xf3: {  	s6 =	sand.u32 @p0 $0xF, s1  }
0xf4: {  	v14 =	vlaneseq.u32 @p0;
	v13 =	vmov @p0 s6  }
0xf5: {  	vm1 =	veq.s32 @p0 v13, v14  }
0xf6: {  	v12 =	vnsel @p0 vm1, $0x0, v12  }
0xf7: {  	(xrf0) =	vadd.scan.msk.s32 @p0 $0xffff, v12;
	_ =	sdelay $0x5  }
0xf8: {  	v12, _, _ =	vpop @p0 (xrf0)  }
0xf9: {  	(v2sf) =	vpush @p0 v12, $0xF;
	_ =	sdelay $0xe  }
0xfa: {  	s6 =	spop @p0 (v2sf)  }
0xfb: {  	s6 =	sshll.u32 @p0 s6, $0xA  }
0xfc: {  	s7 =	sand.u32 @p0 $0x1, s1;
	s6 =	sadd.s32 @p0 s2, s6  }
0xfd: {  	p1 =	seq.s32 @p0 s7, $0x1;
	p2 =	slt.s32 @p0 s6, $0x27A780  }
0xfe: {  	s7 =	simm.s32 @p0 $0xA000;
	p1 =	por !p1, !p0;
	p2 =	por !p2, !p0  }
0xff: {  	s19 =	sand.u32 $0x7FFFFFF0, s10;
	s7 =	simm.s32 @p1 $0x0;
	s6 =	simm.s32 @p2 $0x27A780  }
0x100: {  	s12 =	simm.s32 @p0 $0x0;
	s11 =	sor.u32 @p0 $0x4380, s7;
	s6 =	sadd.s32 @p0 s0, s6  }
0x101: {  	[tilespmem:s11], [sflag:$0x1] =	stream.linear.gather @p0 [hbm4b:s6+s12], $0x2400, $0x38;
	[tilespmem:$0x19380] =	vst v63  }
0x102: {  	s15 =	sadd.s32 @p0 $0x6B80, s7;
	s11 =	sadd.s32 @p0 $0x27AC80, s6  }
0x103: {  	[tilespmem:s15], [sflag:$0x1] =	stream.linear.gather @p0 [hbm4b:s11+s12], $0x2400, $0x38;
	[tilespmem:$0x19380] =	vst v63  }
0x104: {  	s11 =	sadd.s32 @p0 $0x4F5900, s6;
	s15 =	sadd.s32 @p0 $0x9380, s7  }
0x105: {  	[tilespmem:s15], [sflag:$0x1] =	stream.linear.gather @p0 [hbm4b:s11+s12], $0x2400, $0x38;
	[tilespmem:$0x19380] =	vst v63  }
0x106: {  	s6 =	sadd.s32 @p0 $0x770580, s6;
	s7 =	sadd.s32 @p0 $0xBB80, s7  }
0x107: {  	[tilespmem:s7], [sflag:$0x1] =	stream.linear.gather @p0 [hbm4b:s6+s12], $0x2400, $0x38;
	[tilespmem:$0x19380] =	vst v63  }
0x108: {  	s7 =	sand.u32 @!p0 $0x7FFFFFF0, s1;
	v57 =	vld [tilespmem:s19+$0x4180]  }
0x109: {  	s7 =	smov.u32 @p0 s5;
	v58 =	vld [tilespmem:s19+$0x4280]  }
0x10a: {  	s29 =	sand.u32 $0xF, s10;
	v15 =	vld [tilespmem:s7+$0x4280]  }
0x10b: {  	v16 =	vmov s29;
	s6 =	sand.u32 @!p0 $0xF, s1  }
0x10c: {  	vm1 =	veq.s32 v16, v0;
	v16 =	vmov @!p0 s6  }
0x10d: {  	v13 =	vpsel p0, v13, v16;
	v12 =	vnsel vm1, $0x0, v57  }
0x10e: {  	v59 =	vnsel vm1, $0x0, v58;
	vm1 =	veq.s32 v13, v0;
	(xrf0) =	vadd.scan.msk.s32 $0xffff, v12  }
0x10f: {  	v60 =	vnsel vm1, $0x0, v15;
	(xrf0) =	vadd.scan.msk.s32 $0xffff, v59  }
0x110: {  	(xrf0) =	vadd.scan.msk.s32 $0xffff, v60;
	_ =	sdelay $0x3  }
0x111: {  	v61, _, _ =	vpop (xrf0)  }
0x112: {  	v62, _, _ =	vpop (xrf0);
	(v2sf) =	vpush v61, $0xF  }
0x113: {  	(v2sf) =	vpush v62, $0xF;
	v63, _, _ =	vpop (xrf0)  }
0x114: {  	(v2sf) =	vpush v63, $0xF;
	_ =	sdelay $0xc  }
0x115: {  	s7 =	spop (v2sf)  }
0x116: {  	s5 =	spop (v2sf)  }
0x117: {  	s6 =	spop (v2sf)  }
0x118: {  	p0 =	sge.s32 s5, s6  }
.Ltmp7:
0x119: {  	_ = 	snop;
	(pc) =	sbr.rel @p0 .LBB2_6-.Ltmp7, $1  }
0x11a: {  	_ =	sdelay $0x3  }
0x11b: {  	s19 =	sand.u32 $0x1, s10  }
0x11c: {  	s17 =	simm.s32 $0xE380;
	s11 =	sadd.s32 $0x1, s5;
	p1 =	seq.s32 s19, $0x1  }
0x11d: {  	s17 =	simm.s32 @!p1 $0x4380;
	p1 =	seq.s32 s6, s11  }
.Ltmp8:
0x11e: {  	_ = 	snop;
	(pc) =	sbr.rel @p1 .LBB2_9-.Ltmp8, $4  }
0x11f: {  	s7 =	sshll.u32 s7, $0xA  }
0x120: {  	s12 =	sshll.u32 s5, $0x5;
	s18 =	sadd.s32 s2, s7  }
0x121: {  	s29 =	sand.u32 $0xFFFFFF80, s5;
	s7 =	sand.u32 $0x70, s5;
	p0 =	slt.s32 s18, $0x27A780  }
0x122: {  	s16 =	sadd.s32 s29, s31;
	s18 =	simm.s32 @!p0 $0x27A780;
	p0 =	por $0x0, $0x0  }
0x123: {  	s7 =	sadd.s32 s7, s16  }
0x124: {  	v12 =	vld [tilespmem:s7+$0x0];
	_ =	sdelay $0x1  }
0x125: {  	s5 =	sand.u32 $0xF, s5  }
0x126: {  	v13 =	vmov s5  }
0x127: {  	vm1 =	veq.s32 v13, v0  }
0x128: {  	v12 =	vnsel vm1, $0x0, v12  }
0x129: {  	(xrf0) =	vadd.scan.msk.s32 $0xffff, v12;
	_ =	sdelay $0x5  }
0x12a: {  	v12, _, _ =	vpop (xrf0)  }
0x12b: {  	(v2sf) =	vpush v12, $0xF;
	_ =	sdelay $0xe  }
0x12c: {  	s15 =	spop (v2sf)  }
0x12d: {  	s5 =	sadd.s32 s3, s15  }
0x12e: {  	s16 =	ssub.s32 s5, s18  }
0x12f: {  	v12 =	vmov s16  }
0x130: {  	v13 =	vshll.u32 v12, $0x3  }
0x131: {  	s7 =	sadd.s32 $0xFFD85400, s5;
	v12 =	vand.u32 $0x7F, v12;
	v13 =	vand.u32 $0xFFFFFC00, v13  }
0x132: {  	p0 =	sgt.s32 s7, $0x0;
	v12 =	vor.u32 v12, v13  }
0x133: {  	s7 =	simm.s32 @!p0 $0x0;
	v13 =	vadd.s32 v10, v12  }
0x134: {  	s7 =	smin.u32 s7, $0x3F;
	v12 =	vadd.s32 v11, v12  }
0x135: {  	s7 =	sshll.u32 s7, $0x7  }
0x136: {  	v14 =	vld [tilespmem:s7+$0x2000]  }
0x137: {  	v15 =	vld [tilespmem:s7+$0x2010]  }
0x138: {  	s10 =	sadd.s32 $0x1, s11;
	v13 =	vld.idx.msk [tilespmem:v13+s17+$0x0], $0xffff  }
0x139: {  	p1 =	seq.s32 s6, s10;
	v12 =	vld.idx.msk [tilespmem:v12+s17+$0x0], $0xffff  }
.Ltmp9:
0x13a: {  	_ = 	snop;
	(pc) =	sbr.rel @p1 .LBB2_11-.Ltmp9, $4  }
0x13b: {  	_ = 	snop  }
0x13c: {  	s19 =	sand.u32 $0xFFFFFF80, s11;
	s15 =	sand.u32 $0xFFFFFFE0, s12;
	p6 =	slt.s32 s5, $0x27AC00  }
0x13d: {  	s29 =	sadd.s32 $0x18380, s15;
	s16 =	sadd.s32 s19, s31;
	v13 =	vpsel p6, v13, v14  }
0x13e: {  	p0 =	por $0x1, $0x1;
	s7 =	sand.u32 $0x70, s11;
	v12 =	vpsel p6, v12, v15;
	[tilespmem:s15+$0x18380] =	vst v13;
	s15 =	smov.u32 s12  }
.LBB2_12:
0x13f: {  	s5 =	sadd.s32 s7, s16  }
0x140: {  	[tilespmem:s29+$0x10] =	vst v12;
	s15 =	sadd.s32 $0x20, s15;
	s7 =	smov.u32 s10;
	s10 =	sadd.s32 $0x1, s10  }
0x141: {  	p1 =	seq.s32 s6, s10;
	v12 =	vld [tilespmem:s5+$0x0];
	_ =	sdelay $0x1  }
0x142: {  	s5 =	sand.u32 $0xF, s11;
	s11 =	smov.u32 s7  }
0x143: {  	v13 =	vmov s5  }
0x144: {  	vm1 =	veq.s32 v13, v0  }
0x145: {  	v12 =	vnsel vm1, $0x0, v12  }
0x146: {  	(xrf0) =	vadd.scan.msk.s32 $0xffff, v12;
	_ =	sdelay $0x5  }
0x147: {  	v12, _, _ =	vpop (xrf0)  }
0x148: {  	(v2sf) =	vpush v12, $0xF;
	_ =	sdelay $0xe  }
0x149: {  	s5 =	spop (v2sf)  }
0x14a: {  	s5 =	sadd.s32 s3, s5  }
0x14b: {  	s7 =	ssub.s32 s5, s18;
	s16 =	sadd.s32 $0xFFD85400, s5  }
0x14c: {  	v12 =	vmov s7;
	p2 =	sgt.s32 s16, $0x0  }
0x14d: {  	v13 =	vshll.u32 v12, $0x3;
	s16 =	simm.s32 @!p2 $0x0  }
0x14e: {  	v12 =	vand.u32 $0x7F, v12;
	v13 =	vand.u32 $0xFFFFFC00, v13;
	s7 =	smin.u32 s16, $0x3F  }
0x14f: {  	v12 =	vor.u32 v12, v13;
	s7 =	sshll.u32 s7, $0x7  }
0x150: {  	v13 =	vadd.s32 v10, v12;
	v12 =	vadd.s32 v11, v12;
	_ =	sdelay $0x3  }
0x151: {  	v14 =	vld [tilespmem:s7+$0x2000]  }
0x152: {  	v13 =	vld.idx.msk [tilespmem:v13+s17+$0x0], $0xffff  }
0x153: {  	v12 =	vld.idx.msk [tilespmem:v12+s17+$0x0], $0xffff  }
0x154: {  	v15 =	vld [tilespmem:s7+$0x2010]  }
.Ltmp10:
0x155: {  	(pc) =	sbr.rel @!p1 .LBB2_12-.Ltmp10, $4  }
0x156: {  	_ = 	snop  }
0x157: {  	p2 =	slt.s32 s5, $0x27AC00  }
0x158: {  	s19 =	sand.u32 $0xFFFFFFE0, s15;
	s5 =	sand.u32 $0xFFFFFF80, s11;
	v13 =	vpsel p2, v13, v14  }
0x159: {  	s29 =	sadd.s32 $0x18380, s19;
	s16 =	sadd.s32 s5, s31;
	s7 =	sand.u32 $0x70, s11;
	v12 =	vpsel p2, v12, v15;
	[tilespmem:s19+$0x18380] =	vst v13  }
.Ltmp11:
0x15a: {  	(pc) =	sbr.rel .LBB2_14-.Ltmp11, $2  }
0x15b: {  	_ =	sdelay $0x2  }
0x15c: {  	s5 =	smov.u32 s11  }
.LBB2_11:
.Ltmp12:
0x15d: {  	(pc) =	sbr.rel .LBB2_14-.Ltmp12, $2  }
0x15e: {  	_ =	sdelay $0x2  }
0x15f: {  	s15 =	smov.u32 s12;
	s5 =	smov.u32 s11  }
.LBB2_5:
0x160: {  	_ =	sfence.sel $0x180000  }
0x161: {  	[bflag:$0x0] =	sbarrier.arrive $0xFFFF  }
0x162: {  	_ =	strace $0x90000047  }
0x163: {  	s0 =	stileid.u32;
	[bflag:$0x2] =	sbarrier.arrive $0xFFFF  }
0x164: {  	p0 =	sne.s32 s0, $0x0;
	s0 =	rddreg [dreg:$0x3]  }
0x165: {  	s0 =	sadd.s32 @!p0 $0x100000, s0  }
0x166: {  	[sflag:s0] =	ssyncadd.tile.s32 @!p0 $0x1;
	_ =	shalt  }
.Lfunc_end2:
_tile_overlayer_lowered:
.L_overlay_start_2:
0x167: {  	(tag) =	ssettag $0x2  }
0x168: {  	s0 =	rddreg [dreg:$0x0];
	s2 =	stileid.u32  }
0x169: {  	s1 =	rddreg [dreg:$0x1];
	p0 =	sne.s32 s2, $0x0  }
0x16a: {  	s3 =	rddreg [dreg:$0x2];
	[bflag:$0x3] =	sbarrier.arrive $0xFFFF;
	s2 =	simm.s32 @!p0 $0x1C02  }
0x16b: {  	[timem:s3], [sflag:s2] =	dma.local @!p0 [hbm:s0], s1  }
0x16c: {  	s0 =	simm.s32 @!p0 $0x2  }
0x16d: {  	_ =	swait.ge @!p0 [sflag:s0], s1  }
0x16e: {  	s1 =	ssub.s32 @!p0 $0x0, s1;
	[sflag:s0] =	ssyncset.done @!p0 $0x0  }
0x16f: {  	[sflag:s0] =	ssyncadd.s32 @!p0 s1  }
0x170: {  	[bflag:$0x3] =	sbarrier.arrive $0xFFFF  }
0x171: {  	_ =	shalt  }

// kernel: kernel.7.cloned.1.call-start
scs
__scs_entry_jumppad:
0x0: {  	(pc) =	sbr.rel $0x88, $3  }
0x1: {  	(tag) =	ssettag $0x0;
	lr =	simm.s32 $0x1  }
0x2: {  	[smem:$0x3F9F] =	sst lr;
	_ =	strace $0xD0000000  }
0x3: {  	_ = 	snop  }
0x4: {  	_ = 	snop  }
0x5: {  	_ = 	snop  }
0x6: {  	_ = 	snop  }
0x7: {  	_ = 	snop  }
__scs_overlays_trampoline_lowered:
0x8: {  	[smem:$0x3FAE] =	sst s0  }
0x9: {  	[smem:$0x3FAF] =	sst s1  }
0xa: {  	[smem:$0x3FB0] =	sst s2  }
0xb: {  	[smem:$0x3FB1] =	sst s3  }
0xc: {  	[smem:$0x3FB2] =	sst s4  }
0xd: {  	[smem:$0x3FB3] =	sst s5  }
0xe: {  	[smem:$0x3FB4] =	sst s6  }
0xf: {  	[smem:$0x3FB5] =	sst s7  }
0x10: {  	[smem:$0x3FB6] =	sst s8  }
0x11: {  	[smem:$0x3FB7] =	sst s9;
	s0 =	simm.s32 @!p0 $0x0  }
0x12: {  	s1 =	sld [smem:$0x3F9D];
	s0 =	simm.s32 @p0 $0x1  }
0x13: {  	[smem:$0x3FB8] =	sst s0;
	s0 =	simm.s32 @!p1 $0x0  }
0x14: {  	s2 =	sld [smem:$0x3F9C];
	s0 =	simm.s32 @p1 $0x1  }
0x15: {  	[smem:$0x3FB9] =	sst s0;
	s0 =	simm.s32 @!p2 $0x0  }
0x16: {  	s3 =	sld [smem:$0x3FDB];
	s0 =	simm.s32 @p2 $0x1  }
0x17: {  	s4 =	simm.s32 $0x1BF5;
	[smem:$0x3FBB] =	sst s0  }
0x18: {  	s0 =	sld [smem:$0x3F9E];
	_ =	swait.ge [sflag:s4], $0x0  }
0x19: {  	s7 =	sld [smem:$0x3F9F]  }
0x1a: {  	s8 =	sadd.s32 $0xFFFFE003, lr  }
0x1b: {  	s9 =	sadd.s32 $0xFFFFFEF7, lr;
	s5 =	simm.s32 $0xFFFFFFFF;
	p2 =	slt.u32 s8, $0xFFFFF086  }
0x1c: {  	p1 =	slt.u32 s9, $0xF7A;
	s5 =	simm.s32 @!p2 $0x0  }
0x1d: {  	s5 =	simm.s32 @p1 $0x1;
	p0 =	seq.s32 s7, s2  }
0x1e: {  	s7 =	smul.u32 @!p0 $0xF7A, s2;
	p2 =	seq.s32 @!p0 s5, $0x0  }
0x1f: {  	s9 =	smul.u32 $0xF7A, s1;
	s8 =	simm.s32 @!p0 $0x1BF5;
	p2 =	por !p2, p0  }
0x20: {  	[sflag:s8] =	ssyncset.s32 @!p0 $0xFFFFF086;
	s6 =	sadd.s32 @!p0 s3, s7;
	s7 =	simm.s32 @!p0 $0x108  }
0x21: {  	s3 =	sadd.s32 s3, s9;
	s6 =	sadd.s32 @!p0 $0x88, s6;
	s7 =	simm.s32 @p2 $0x1082  }
0x22: {  	[simem:s7], [sflag:s8] =	dma.local @!p0 [hbm:s6], $0xF7A  }
0x23: {  	s9 =	sor.u32 $0xD0000000, s2;
	s6 =	simm.s32 $0x108;
	_ =	swait.ge @!p0 [sflag:s8], $0x0  }
0x24: {  	s3 =	sadd.s32 $0x88, s3;
	s6 =	simm.s32 @!p1 $0x1082;
	[sflag:s4] =	ssyncset.s32 $0xFFFFF086  }
0x25: {  	[simem:s6], [sflag:s4] =	dma.local [hbm:s3], $0xF7A  }
0x26: {  	[smem:$0x3F9F] =	sst s1;
	(tag) =	ssettag s2;
	_ =	strace s9  }
0x27: {  	s1 =	sld [smem:$0x3FAF]  }
0x28: {  	s2 =	sld [smem:$0x3FB0]  }
0x29: {  	s4 =	sld [smem:$0x3FB2]  }
0x2a: {  	p0 =	seq.s32 s5, $0x0;
	s5 =	sld [smem:$0x3FB3]  }
0x2b: {  	s6 =	sld [smem:$0x3FB4]  }
0x2c: {  	s7 =	sld [smem:$0x3FB5]  }
0x2d: {  	s3 =	simm.s32 $0x108;
	s8 =	sld [smem:$0x3FB6]  }
0x2e: {  	s3 =	simm.s32 @!p0 $0x1082;
	s9 =	sld [smem:$0x3FB7]  }
0x2f: {  	lr =	sadd.s32 s0, s3;
	s0 =	sld [smem:$0x3FAE]  }
0x30: {  	s3 =	sld [smem:$0x3FB1]  }
0x31: {  	[smem:$0x3FBA] =	sst s10  }
0x32: {  	s10 =	sld [smem:$0x3FB8];
	_ =	sdelay $0x3  }
0x33: {  	p0 =	seq.s32 s10, $0x1;
	s10 =	sld [smem:$0x3FBA];
	_ =	sdelay $0x3  }
0x34: {  	[smem:$0x3FBA] =	sst s10  }
0x35: {  	s10 =	sld [smem:$0x3FB9];
	_ =	sdelay $0x3  }
0x36: {  	p1 =	seq.s32 s10, $0x1;
	s10 =	sld [smem:$0x3FBA];
	_ =	sdelay $0x3  }
0x37: {  	[smem:$0x3FBA] =	sst s10  }
0x38: {  	s10 =	sld [smem:$0x3FBB]  }
0x39: {  	_ = 	snop;
	(pc) =	sbr.ind lr, $3  }
0x3a: {  	_ = 	snop  }
0x3b: {  	_ = 	snop  }
0x3c: {  	p2 =	seq.s32 s10, $0x1;
	s10 =	sld [smem:$0x3FBA]  }
0x3d: {  	_ =	shalt  }
0x3e: {  	_ =	shalt  }
0x3f: {  	_ =	shalt  }
0x40: {  	_ =	shalt  }
0x41: {  	_ =	shalt  }
0x42: {  	_ =	shalt  }
0x43: {  	_ =	shalt  }
0x44: {  	_ =	shalt  }
0x45: {  	_ =	shalt  }
0x46: {  	_ =	shalt  }
0x47: {  	_ =	shalt  }
0x48: {  	_ =	shalt  }
0x49: {  	_ =	shalt  }
0x4a: {  	_ =	shalt  }
0x4b: {  	_ =	shalt  }
0x4c: {  	_ =	shalt  }
0x4d: {  	_ =	shalt  }
0x4e: {  	_ =	shalt  }
0x4f: {  	_ =	shalt  }
0x50: {  	_ =	shalt  }
0x51: {  	_ =	shalt  }
0x52: {  	_ =	shalt  }
0x53: {  	_ =	shalt  }
0x54: {  	_ =	shalt  }
0x55: {  	_ =	shalt  }
0x56: {  	_ =	shalt  }
0x57: {  	_ =	shalt  }
0x58: {  	_ =	shalt  }
0x59: {  	_ =	shalt  }
0x5a: {  	_ =	shalt  }
0x5b: {  	_ =	shalt  }
0x5c: {  	_ =	shalt  }
0x5d: {  	_ =	shalt  }
0x5e: {  	_ =	shalt  }
0x5f: {  	_ =	shalt  }
0x60: {  	_ =	shalt  }
0x61: {  	_ =	shalt  }
0x62: {  	_ =	shalt  }
0x63: {  	_ =	shalt  }
0x64: {  	_ =	shalt  }
0x65: {  	_ =	shalt  }
0x66: {  	_ =	shalt  }
0x67: {  	_ =	shalt  }
0x68: {  	_ =	shalt  }
0x69: {  	_ =	shalt  }
0x6a: {  	_ =	shalt  }
0x6b: {  	_ =	shalt  }
0x6c: {  	_ =	shalt  }
0x6d: {  	_ =	shalt  }
0x6e: {  	_ =	shalt  }
0x6f: {  	_ =	shalt  }
0x70: {  	_ =	shalt  }
0x71: {  	_ =	shalt  }
0x72: {  	_ =	shalt  }
0x73: {  	_ =	shalt  }
0x74: {  	_ =	shalt  }
0x75: {  	_ =	shalt  }
0x76: {  	_ =	shalt  }
0x77: {  	_ =	shalt  }
0x78: {  	_ =	shalt  }
0x79: {  	_ =	shalt  }
0x7a: {  	_ =	shalt  }
0x7b: {  	_ =	shalt  }
0x7c: {  	_ =	shalt  }
0x7d: {  	_ =	shalt  }
0x7e: {  	_ =	shalt  }
0x7f: {  	_ =	shalt  }
0x80: {  	_ =	shalt  }
0x81: {  	_ =	shalt  }
0x82: {  	_ =	shalt  }
0x83: {  	_ =	shalt  }
0x84: {  	_ =	shalt  }
0x85: {  	_ =	shalt  }
0x86: {  	_ =	shalt  }
0x87: {  	_ =	shalt  }
.Lfunc_end0:
.L_simem_size_0:
called_computation.1_lowered:
.L_overlay_start_0:
0x88: {  	s2 =	sld [smem:$0x3FD9]  }
0x89: {  	s3 =	sld [smem:$0x3FFE];
	_ =	sdelay $0x1  }
0x8a: {  	s1 =	srdreg.scid  }
0x8b: {  	s0 =	sand.u32 $0x1, s1  }
0x8c: {  	s17 =	sshll.u32 s0, $0xA;
	s2 =	sadd.s32 s3, s2  }
0x8d: {  	s2 =	sadd.s32 s2, s17  }
0x8e: {  	[smem:$0x3FC6] =	sst s2  }
0x8f: {  	_ = 	snop  }
0x90: {  	s2 =	sld [smem:$0x3FD0];
	(tm) =	ssettm $0x1  }
0x91: {  	s18 =	sld [smem:$0x3FFB];
	_ =	sdelay $0x3  }
0x92: {  	_ =	strace s18  }
0x93: {  	s3 =	sld [smem:$0x3FFC];
	_ =	sdelay $0x3  }
0x94: {  	_ =	strace s3  }
0x95: {  	s3 =	sld [smem:$0x3FFD];
	_ =	sdelay $0x3  }
0x96: {  	_ =	strace s3  }
0x97: {  	_ =	strace $0x8FFFFFFF  }
0x98: {  	s19 =	sld [smem:$0x3FDB];
	_ =	sdelay $0x1  }
0x99: {  	s4 =	simm.s32 $_scs_section_size  }
0x9a: {  	s5 =	simm.s32 $_size__tile_overlayer_lowered;
	s6 =	simm.s32 $_tile_overlayer_lowered  }
0x9b: {  	s22 =	simm.s32 $0x1BFF;
	s21 =	sshll.u32 s6, $0x1;
	s3 =	sadd.s32 s4, s19  }
0x9c: {  	s7 =	simm.s32 $0x0;
	s20 =	sshll.u32 s5, $0x1;
	s5 =	sadd.s32 s21, s3  }
0x9d: {  	[timem:s7], [sflag:s22] =	dma.local [hbm:s5], s20  }
0x9e: {  	_ =	swait.ge [sflag:s22], s20  }
0x9f: {  	s4 =	ssub.s32 $0x0, s20;
	[sflag:s22] =	ssyncset.done $0x0  }
0xa0: {  	[sflag:s22] =	ssyncadd.s32 s4;
	_ =	sdelay $0x1  }
0xa1: {  	s23 =	simm.s32 $0x1B8B  }
0xa2: {  	_ =	swait.ge [sflag:s23], $0x1  }
0xa3: {  	[sflag:s23] =	ssyncset.done $0x0  }
0xa4: {  	s25 =	simm.s32 $0x1B8E;
	s24 =	sld [smem:$0x3FFE];
	[sflag:s23] =	ssyncadd.s32 $0xFFFFFFFF  }
0xa5: {  	s26 =	simm.s32 $execute0_lowered;
	[smem:$0x3FD2] =	sst s25  }
0xa6: {  	s5 =	sshll.u32 s26, $0x1;
	_ =	strace $0x80000049;
	[dreg:$0x1] =	wrdreg $0xFFFFFFFF  }
0xa7: {  	s28 =	simm.s32 $_size_execute0_lowered;
	s3 =	sadd.s32 s3, s5;
	[dreg:$0x0] =	wrdreg $0x0  }
0xa8: {  	s5 =	sshll.u32 s28, $0x1;
	[dreg:$0x2] =	wrdreg s3  }
0xa9: {  	[dreg:$0x3] =	wrdreg s5  }
0xaa: {  	[dreg:$0x4] =	wrdreg $0xC0  }
0xab: {  	_ =	task [dreg:s7], $0x5FFFF  }
0xac: {  	[dreg:$0x1] =	wrdreg $0xFFFFFFFF  }
0xad: {  	[dreg:$0x0] =	wrdreg $0x60  }
0xae: {  	[dreg:$0x2] =	wrdreg s24  }
0xaf: {  	[dreg:$0x3] =	wrdreg s2  }
0xb0: {  	[dreg:$0x4] =	wrdreg $0x9  }
0xb1: {  	_ =	task.clear_ibuf [dreg:s7], $0x5FFFF;
	_ =	strace $0x90000049  }
0xb2: {  	s29 =	simm.s32 $0x9;
	_ =	strace $0x8000004B  }
0xb3: {  	_ =	swait.ge [sflag:s29], $0x1  }
0xb4: {  	[sflag:s29] =	ssyncadd.s32 $0xFFFFFFFF  }
0xb5: {  	_ =	strace $0x9000004B  }
0xb6: {  	_ =	sfence  }
0xb7: {  	s30 =	sld [smem:$0x0];
	_ =	sdelay $0x2  }
0xb8: {  	s31 =	sshll.u32 s1, $0xD;
	s1 =	sshrl.u32 s1, $0x2  }
0xb9: {  	s3 =	sand.u32 $0x4000, s31;
	s1 =	sadd.s32 s1, s30  }
0xba: {  	s0 =	sor.u32 s3, s0;
	s1 =	sshll.u32 s1, $0x11  }
0xbb: {  	s0 =	sor.u32 s1, s0  }
0xbc: {  	s0 =	sadd.s32 $0x8F2B, s0  }
0xbd: {  	[sflag:s0] =	ssyncadd.remote.s32 $0x1  }
0xbe: {  	_ =	sfence.sel $0xFFFF  }
0xbf: {  	[dreg:$0x0] =	wrdreg $0xFFFFFFFF;
	(pc) =	sbr.abs _section_cstart, $3  }
0xc0: {  	[dreg:$0x1] =	wrdreg $0xFFFFFFFF  }
0xc1: {  	_ =	task.clear_ibuf [dreg:s7], $0x2FFFF;
	_ =	strace $0x9FFFFFFF  }
0xc2: {  	(tm) =	ssettm $0x7FFFFFFF  }
0xc3: {  	_ =	shalt  }
tec
execute0_lowered:
.L_overlay_start_1:
0x0: {  	(tag) =	ssettag $0x1  }
0x1: {  	s4 =	rddreg [dreg:$0x0]  }
0x2: {  	s2 =	rddreg [dreg:$0x1]  }
0x3: {  	s0 =	rddreg [dreg:$0x2]  }
0x4: {  	s3 =	simm.s32 $0x0;
	s5 =	srdreg.scid;
	s1 =	stileid.u32  }
0x5: {  	s9 =	simm.s32 $0x80;
	s10 =	simm.s32 $0x1000;
	s11 =	simm.s32 $0x1  }
0x6: {  	[smem:$0x7FF] =	sst s3;
	s5 =	sand.u32 $0x1, s5;
	s6 =	sshll.u32 s1, $0x1  }
0x7: {  	s12 =	simm.s32 $0x0;
	_ =	strace $0x8000004A;
	s6 =	sor.u32 s5, s6  }
0x8: {  	s5 =	ssub.s32 $0x2, s5;
	s7 =	sshll.u32 s6, $0x9;
	s6 =	sshll.u32 s6, $0x4  }
0x9: {  	s8 =	sshrl.u32 s5, $0x1;
	s7 =	sadd.s32 s7, s4;
	s6 =	sadd.s32 s6, s4  }
0xa: {  	s8 =	ssub.s32 s5, s8;
	s4 =	sadd.s32 $0x4400, s7;
	s5 =	sadd.s32 $0x6C400, s6  }
0xb: {  	s6 =	smax.u32 s8, $0x1;
	s7 =	simm.s32 $0x2;
	s8 =	simm.s32 $0x2000  }
.LBB2_1:
0xc: {  	s13 =	simm.s32 $0x0  }
.LBB2_2:
0xd: {  	s14 =	sshll.u32 s13, $0xE  }
0xe: {  	s14 =	sadd.s32 s14, s4  }
0xf: {  	[tilespmem:s3], [sflag:$0x2] =	stream.linear.gather [hbm4b:s14+s3], $0x1000, $0x38;
	[tilespmem:$0x2080] =	vst v63  }
0x10: {  	_ =	swait.ge [sflag:s7], $0x1000  }
0x11: {  	s31 =	sshll.u32 s13, $0x9;
	[sflag:s7] =	ssyncset.done $0x0  }
0x12: {  	s14 =	sadd.s32 s31, s5;
	[sflag:s7] =	ssyncadd.s32 $0xFFFFF000  }
0x13: {  	[tilespmem:s8], [sflag:$0x2] =	stream.linear.gather [hbm4b:s14+s3], $0x80, $0x38;
	[tilespmem:$0x2080] =	vst v63  }
0x14: {  	_ =	swait.ge [sflag:s7], $0x80  }
0x15: {  	[sflag:s7] =	ssyncset.done $0x0  }
0x16: {  	s15 =	simm.s32 $0x40;
	[sflag:s7] =	ssyncadd.s32 $0xFFFFFF80  }
0x17: {  	v0 =	vld [tilespmem:s15+$0xFFFFFFC0];
	_ =	sdelay $0x3  }
0x18: {  	s14 =	simm.s32 $0x1040  }
0x19: {  	[tilespmem:s14+$0xFFFFFFC0] =	vst v0  }
0x1a: {  	v0 =	vld [tilespmem:s15+$0xFFFFFFD0];
	_ =	sdelay $0x4  }
0x1b: {  	[tilespmem:s14+$0xFFFFFFD0] =	vst v0  }
0x1c: {  	v0 =	vld [tilespmem:s15+$0xFFFFFFE0];
	_ =	sdelay $0x4  }
0x1d: {  	[tilespmem:s14+$0xFFFFFFE0] =	vst v0  }
0x1e: {  	v0 =	vld [tilespmem:s15+$0xFFFFFFF0];
	_ =	sdelay $0x4  }
0x1f: {  	[tilespmem:s14+$0xFFFFFFF0] =	vst v0  }
0x20: {  	v0 =	vld [tilespmem:s15+$0x0];
	_ =	sdelay $0x4  }
0x21: {  	[tilespmem:s14+$0x0] =	vst v0  }
0x22: {  	v0 =	vld [tilespmem:s15+$0x10];
	_ =	sdelay $0x4  }
0x23: {  	[tilespmem:s14+$0x10] =	vst v0  }
0x24: {  	v0 =	vld [tilespmem:s15+$0x20];
	_ =	sdelay $0x4  }
0x25: {  	[tilespmem:s14+$0x20] =	vst v0  }
0x26: {  	v0 =	vld [tilespmem:s15+$0x30];
	_ =	sdelay $0x4  }
0x27: {  	s16 =	simm.s32 $0xC0;
	s15 =	simm.s32 $0x0;
	[tilespmem:s14+$0x30] =	vst v0  }
.LBB2_3:
0x28: {  	v0 =	vld [tilespmem:s16+$0xFFFFFFC0];
	s15 =	sadd.s32 $0x8, s15  }
0x29: {  	p0 =	slt.u32 s15, $0xF8;
	_ =	sdelay $0x2  }
0x2a: {  	s14 =	sadd.s32 $0x80, s14  }
0x2b: {  	[tilespmem:s14+$0xFFFFFFC0] =	vst v0  }
0x2c: {  	v0 =	vld [tilespmem:s16+$0xFFFFFFD0];
	_ =	sdelay $0x4  }
0x2d: {  	[tilespmem:s14+$0xFFFFFFD0] =	vst v0  }
0x2e: {  	v0 =	vld [tilespmem:s16+$0xFFFFFFE0];
	_ =	sdelay $0x4  }
0x2f: {  	[tilespmem:s14+$0xFFFFFFE0] =	vst v0  }
0x30: {  	v0 =	vld [tilespmem:s16+$0xFFFFFFF0];
	_ =	sdelay $0x4  }
0x31: {  	[tilespmem:s14+$0xFFFFFFF0] =	vst v0  }
0x32: {  	v0 =	vld [tilespmem:s16+$0x0];
	_ =	sdelay $0x4  }
0x33: {  	[tilespmem:s14+$0x0] =	vst v0  }
0x34: {  	v0 =	vld [tilespmem:s16+$0x10];
	_ =	sdelay $0x4  }
0x35: {  	[tilespmem:s14+$0x10] =	vst v0  }
0x36: {  	v0 =	vld [tilespmem:s16+$0x20];
	_ =	sdelay $0x4  }
0x37: {  	[tilespmem:s14+$0x20] =	vst v0  }
0x38: {  	v0 =	vld [tilespmem:s16+$0x30]  }
.Ltmp0:
0x39: {  	(pc) =	sbr.rel @p0 .LBB2_3-.Ltmp0, $2  }
0x3a: {  	_ =	sdelay $0x2  }
0x3b: {  	s16 =	sadd.s32 $0x80, s16;
	[tilespmem:s14+$0x30] =	vst v0  }
0x3c: {  	s13 =	sadd.s32 $0x1, s13  }
0x3d: {  	p0 =	sne.s32 s13, $0x1A  }
.Ltmp1:
0x3e: {  	_ = 	snop;
	(pc) =	sbr.rel @p0 .LBB2_2-.Ltmp1, $4  }
0x3f: {  	[hbm4b:s2+s9] =	stream.indirect.scatter [tilespmem:s10], [sflag:$0x1], $0x20, s8, s9, $0xb8;
	[tilespmem:$0x2080] =	vst v63  }
0x40: {  	_ =	swait.ge [sflag:s11], $0x1000  }
0x41: {  	[sflag:s11] =	ssyncset.done $0x0  }
0x42: {  	[sflag:s11] =	ssyncadd.s32 $0xFFFFF000  }
0x43: {  	s12 =	sadd.s32 $0x1, s12  }
0x44: {  	p0 =	sne.s32 s12, s6  }
.Ltmp2:
0x45: {  	_ = 	snop;
	(pc) =	sbr.rel @p0 .LBB2_1-.Ltmp2, $1  }
0x46: {  	_ =	sdelay $0x3  }
0x47: {  	_ =	sfence.sel $0x180000  }
0x48: {  	[bflag:$0x0] =	sbarrier.arrive $0xFFFF  }
0x49: {  	p0 =	sne.s32 s1, $0x0;
	_ =	strace $0x9000004A  }
0x4a: {  	s0 =	sadd.s32 @!p0 $0x100000, s0;
	[bflag:$0x2] =	sbarrier.arrive $0xFFFF  }
0x4b: {  	[sflag:s0] =	ssyncadd.tile.s32 @!p0 $0x1;
	_ =	shalt  }
.Lfunc_end2:
_tile_overlayer_lowered:
.L_overlay_start_2:
0x4c: {  	(tag) =	ssettag $0x2  }
0x4d: {  	s0 =	rddreg [dreg:$0x0];
	s2 =	stileid.u32  }
0x4e: {  	s1 =	rddreg [dreg:$0x1];
	p0 =	sne.s32 s2, $0x0  }
0x4f: {  	s3 =	rddreg [dreg:$0x2];
	[bflag:$0x3] =	sbarrier.arrive $0xFFFF;
	s2 =	simm.s32 @!p0 $0x1C02  }
0x50: {  	[timem:s3], [sflag:s2] =	dma.local @!p0 [hbm:s0], s1  }
0x51: {  	s0 =	simm.s32 @!p0 $0x2  }
0x52: {  	_ =	swait.ge @!p0 [sflag:s0], s1  }
0x53: {  	s1 =	ssub.s32 @!p0 $0x0, s1;
	[sflag:s0] =	ssyncset.done @!p0 $0x0  }
0x54: {  	[sflag:s0] =	ssyncadd.s32 @!p0 s1  }
0x55: {  	[bflag:$0x3] =	sbarrier.arrive $0xFFFF  }
0x56: {  	_ =	shalt  }

</sc_bundles>
